<compile_context>
chip_gen: v7x
topology: tpu7x:2x2x1
jax: 0.10.2.dev20260603
libtpu: 0.0.44.dev20260713+nightly
codegen_flags: <defaults>
</compile_context>

<pallas_src>
import functools

import jax
import jax.numpy as jnp
from jax import lax
from jax.experimental import pallas as pl
from jax.experimental.pallas import tpu as pltpu
from jax.experimental.pallas import tpu_sc as plsc

BINS = 100000
EMB = 16
NF = 26
BATCH = 4096
N_DENSE = 13
HASH_MULT = 2654435761

NC = 2
NS = 16
NW = NC * NS
ROWS_W = BATCH * NF // NW
VECS = ROWS_W // 16
ELEMS_W = ROWS_W * EMB

GCHUNK = 3328
NCH = ROWS_W // GCHUNK
TAIL = ROWS_W - NCH * GCHUNK
VIEW_LEN = (NF * EMB - EMB + 1) * BINS


def _emb_gather(sparse_flat, table_flat):
    mesh = plsc.VectorSubcoreMesh(core_axis_name="c", subcore_axis_name="s")

    @functools.partial(
        pl.kernel,
        mesh=mesh,
        out_type=jax.ShapeDtypeStruct((NW * ELEMS_W,), jnp.float32),
        scratch_types=[
            pltpu.VMEM((ROWS_W,), jnp.int32),
            pltpu.VMEM((ROWS_W,), jnp.int32),
            pltpu.VMEM((ELEMS_W,), jnp.float32),
            pltpu.SemaphoreType.DMA,
        ],
        compiler_params=pltpu.CompilerParams(use_tc_tiling_on_sc=False),
    )
    def k(idx_hbm, table_hbm, out_hbm, idx_v, base_v, vals_v, sem):
        wid = lax.axis_index("s") * NC + lax.axis_index("c")
        base = wid * ROWS_W
        pltpu.sync_copy(idx_hbm.at[pl.ds(base, ROWS_W)], idx_v)
        lane = lax.iota(jnp.int32, 16)

        def hash_body(i, carry):
            v = idx_v[pl.ds(i * 16, 16)]
            h = (v.astype(jnp.uint32) * jnp.uint32(HASH_MULT)) % jnp.uint32(BINS)
            f = (i * 16 + lane) % NF
            base_v[pl.ds(i * 16, 16)] = h.astype(jnp.int32) + f * (EMB * BINS)
            return carry

        lax.fori_loop(0, VECS, hash_body, 0)

        def fire_chunk(c, n):
            idx_ref = base_v.at[pl.ds(c * GCHUNK, n)]
            copies = []
            for d in range(EMB):
                copies.append(pltpu.async_copy(
                    table_hbm.at[pl.ds(d * BINS, VIEW_LEN)].at[idx_ref],
                    vals_v.at[pl.ds(d * ROWS_W + c * GCHUNK, n)],
                    sem,
                ))
            for cp in copies:
                cp.wait()

        def fire_body(c, carry):
            fire_chunk(c, GCHUNK)
            return carry

        lax.fori_loop(0, NCH, fire_body, 0)
        if TAIL:
            fire_chunk(NCH, TAIL)
        pltpu.sync_copy(vals_v, out_hbm.at[pl.ds(wid * ELEMS_W, ELEMS_W)])

    return k(sparse_flat, table_flat)


def _mlp_body(xd, xe, w1d, w1e, b1, w2, b2, w3, b3, wo, bo, out):
    f32 = jnp.float32
    h = (
        jnp.dot(xd[...], w1d[...], preferred_element_type=f32)
        + jnp.dot(xe[...], w1e[...], preferred_element_type=f32)
        + b1[...]
    )
    h = jnp.maximum(h, 0.0)
    h = jnp.maximum(jnp.dot(h, w2[...], preferred_element_type=f32) + b2[...], 0.0)
    h = jnp.maximum(jnp.dot(h, w3[...], preferred_element_type=f32) + b3[...], 0.0)
    z = jnp.dot(h, wo[...], preferred_element_type=f32) + bo[...]
    out[...] = jax.nn.sigmoid(z)


def _mlp(dense, embs, w1d, w1e, b1, w2, b2, w3, b3, wo, bo):
    BB = 512
    grid = BATCH // BB
    full = lambda i: (0, 0)
    return pl.pallas_call(
        _mlp_body,
        grid=(grid,),
        in_specs=[
            pl.BlockSpec((BB, N_DENSE), lambda i: (i, 0)),
            pl.BlockSpec((BB, NF * EMB), lambda i: (i, 0)),
            pl.BlockSpec((N_DENSE, 1024), full),
            pl.BlockSpec((NF * EMB, 1024), full),
            pl.BlockSpec((1, 1024), full),
            pl.BlockSpec((1024, 512), full),
            pl.BlockSpec((1, 512), full),
            pl.BlockSpec((512, 256), full),
            pl.BlockSpec((1, 256), full),
            pl.BlockSpec((256, 1), full),
            pl.BlockSpec((1, 1), full),
        ],
        out_specs=pl.BlockSpec((BB, 1), lambda i: (i, 0)),
        out_shape=jax.ShapeDtypeStruct((BATCH, 1), jnp.float32),
    )(dense, embs, w1d, w1e, b1, w2, b2, w3, b3, wo, bo)


def kernel(dense, sparse_idx, emb_tables, W1, b1, W2, b2, W3, b3, Wo, bo):
    table_flat = jnp.transpose(emb_tables, (0, 2, 1)).reshape(-1)
    sparse_flat = sparse_idx.reshape(-1)
    gathered = _emb_gather(sparse_flat, table_flat)
    embs = (
        gathered.reshape(NW, EMB, ROWS_W)
        .transpose(0, 2, 1)
        .reshape(BATCH, NF * EMB)
    )
    return _mlp(
        dense, embs,
        W1[:N_DENSE], W1[N_DENSE:], b1.reshape(1, -1),
        W2, b2.reshape(1, -1),
        W3, b3.reshape(1, -1),
        Wo, bo.reshape(1, -1),
    )

# --- scband reference (transcript-rebuilt; emitter-appended) ---
"""Pipeline reference for scband-cretio-base-dnn-48636209659988 (READ-ONLY COPY).

The authoritative reference and input builder live on the scoring server;
editing this copy changes nothing except your own understanding.
"""

import jax, jax.numpy as jnp
import numpy as np

BINS = 100000
EMB_DIM = 16
N_SPARSE = 26
N_DENSE = 13
BATCH = 4096


def _glorot(key, shape, scale=0.05):
    return jax.random.normal(key, shape, dtype=jnp.float32) * scale


def setup_inputs(seed: int = 0) -> dict:
    key = jax.random.key(seed)
    ks = jax.random.split(key, 12)
    dense = jax.random.normal(ks[0], (BATCH, N_DENSE), dtype=jnp.float32)
    sparse_idx = jax.random.randint(ks[1], (BATCH, N_SPARSE), 0, 1000000)
    emb_tables = _glorot(ks[2], (N_SPARSE, BINS, EMB_DIM))
    d_in = N_DENSE + N_SPARSE * EMB_DIM  # 13 + 416 = 429
    W1 = _glorot(ks[3], (d_in, 1024))
    b1 = jnp.zeros((1024,), dtype=jnp.float32)
    W2 = _glorot(ks[4], (1024, 512))
    b2 = jnp.zeros((512,), dtype=jnp.float32)
    W3 = _glorot(ks[5], (512, 256))
    b3 = jnp.zeros((256,), dtype=jnp.float32)
    Wo = _glorot(ks[6], (256, 1))
    bo = jnp.zeros((1,), dtype=jnp.float32)
    return {"dense": dense, "sparse_idx": sparse_idx, "emb_tables": emb_tables,
            "W1": W1, "b1": b1, "W2": W2, "b2": b2, "W3": W3, "b3": b3,
            "Wo": Wo, "bo": bo}


def _hash(sparse_idx):
    # keras.layers.Hashing analogue: deterministic hash mod num_bins
    h = sparse_idx.astype(jnp.uint32) * np.uint32(2654435761)
    return (h % np.uint32(BINS)).astype(jnp.int32)


def reference(dense, sparse_idx, emb_tables, W1, b1, W2, b2, W3, b3, Wo, bo):
    # preprocess_model (identity on dense features)
    x = dense
    hashed = _hash(sparse_idx)  # [B, 26]
    # per-field embedding lookup: emb_tables[f][hashed[:, f]]
    embs = jax.vmap(lambda table, idx: jnp.take(table, idx, axis=0),
                    in_axes=(0, 1), out_axes=1)(emb_tables, hashed)  # [B, 26, emb_dim]
    embs = embs.reshape(embs.shape[0], -1)  # Concatenate of per-field embeddings
    h = jnp.concatenate([x, embs], axis=1)  # [B, 429]
    h = jax.nn.relu(h @ W1 + b1)
    h = jax.nn.relu(h @ W2 + b2)
    h = jax.nn.relu(h @ W3 + b3)
    logits = h @ Wo + bo
    return jax.nn.sigmoid(logits)

if __name__ == "__main__":
    import jax
    _d = setup_inputs()
    print(jax.jit(kernel)(*tuple(_d.values())))

</pallas_src>

<mosaic_0001>
#map = affine_map<(d0, d1) -> (0)>
module attributes {stable_mosaic.version = 14 : i64} {
  func.func @k(%arg0: i32, %arg1: i32, %arg2: memref<106496xi32, #tpu.memory_space<hbm>>, %arg3: memref<41600000xf32, #tpu.memory_space<hbm>>, %arg4: memref<1703936xf32, #tpu.memory_space<hbm>>, %arg5: memref<3328xi32, #tpu.memory_space<vmem>>, %arg6: memref<3328xi32, #tpu.memory_space<vmem>>, %arg7: memref<53248xf32, #tpu.memory_space<vmem>>, %arg8: memref<!tpu.dma_semaphore, #tpu.memory_space<semaphore_mem>>) attributes {dimension_semantics = [#tpu.dimension_semantics<core_parallel>, #tpu.dimension_semantics<subcore_parallel>], iteration_bounds = array<i64: 2, 16>, scalar_prefetch = 0 : i64, scratch_operands = 4 : i64, tpu.core_type = #tpu.core_type<sc_vector_subcore>, window_params = [{transform_indices = #map}, {transform_indices = #map}, {transform_indices = #map}]} {
    %mul3A = arith.constant 2 : i32
    %mul3A_0 = arith.muli %arg1, %mul3A : i32
    %add3A = arith.addi %mul3A_0, %arg0 : i32
    %mul3A_1 = arith.constant 3328 : i32
    %mul3A_2 = arith.muli %add3A, %mul3A_1 : i32
    "tpu.region"() ({
      %run_scoped3A = tpu.sem_alloc : memref<!tpu.dma_semaphore, #tpu.memory_space<semaphore_mem>>
      %dma_start3A_269 = tpu.memref_slice %arg2[%mul3A_2] : memref<106496xi32, #tpu.memory_space<hbm>> -> memref<3328xi32, #tpu.memory_space<hbm>>
      %dma_start3A_270 = tpu.memref_slice %arg2[%mul3A_2] : memref<106496xi32, #tpu.memory_space<hbm>> -> memref<3328xi32, #tpu.memory_space<hbm>>
      tpu.enqueue_dma source(%dma_start3A_270 : memref<3328xi32, #tpu.memory_space<hbm>>) target(%arg5 : memref<3328xi32, #tpu.memory_space<vmem>>) target_semaphore(%run_scoped3A : memref<!tpu.dma_semaphore, #tpu.memory_space<semaphore_mem>>)
      %dma_wait3A_271 = tpu.memref_slice %arg2[%mul3A_2] : memref<106496xi32, #tpu.memory_space<hbm>> -> memref<3328xi32, #tpu.memory_space<hbm>>
      %dma_wait3A_272 = tpu.memref_slice %arg2[%mul3A_2] : memref<106496xi32, #tpu.memory_space<hbm>> -> memref<3328xi32, #tpu.memory_space<hbm>>
      tpu.wait_dma2 semaphore(%run_scoped3A : memref<!tpu.dma_semaphore, #tpu.memory_space<semaphore_mem>>) src(%dma_wait3A_272 : memref<3328xi32, #tpu.memory_space<hbm>>) dst(%arg5 : memref<3328xi32, #tpu.memory_space<vmem>>)
      tpu.yield
    }) : () -> ()
    %iota3A = tpu.iota {dimensions = array<i32: 0>} : vector<16xi32>
    %scan3A = arith.constant 0 : i32
    %scan3A_3 = arith.constant 0 : i32
    %scan3A_4 = arith.constant 208 : i32
    %scan3A_5 = arith.addi %scan3A_3, %scan3A_4 : i32
    %scan3A_6 = arith.constant 1 : i32
    scf.for %scan3A_269 = %scan3A_3 to %scan3A_5 step %scan3A_6  : i32 {
      %mul3A_270 = arith.constant 16 : i32
      %mul3A_271 = arith.muli %scan3A_269, %mul3A_270 : i32
      %get3A = arith.index_cast %mul3A_271 : i32 to index
      %get3A_272 = tpu.vector_load %arg5[%get3A] {strides = array<i32>} : memref<3328xi32, #tpu.memory_space<vmem>>, vector<16xi32>,
      %get3A_273 = vector.shape_cast %get3A_272 : vector<16xi32> to vector<16xi32>
      %mul3A_274 = arith.constant -1640531535 : i32
      %mul3A_275 = vector.broadcast %mul3A_274 : i32 to vector<16xi32>
      %mul3A_276 = arith.muli %get3A_273, %mul3A_275 : vector<16xi32>
      %jit3A = arith.constant 100000 : i32
      %eq3A = arith.constant 0 : i32
      %eq3A_277 = arith.cmpi eq, %jit3A, %eq3A : i32
      %jit3A_278 = arith.constant 1 : i32
      %select_n3A = arith.select %eq3A_277, %jit3A_278, %jit3A : i32
      %rem3A = vector.broadcast %select_n3A : i32 to vector<16xi32>
      %rem3A_279 = arith.remui %mul3A_276, %rem3A : vector<16xi32>
      %ne3A = arith.constant 0 : i32
      %ne3A_280 = vector.broadcast %ne3A : i32 to vector<16xi32>
      %ne3A_281 = arith.cmpi ne, %rem3A_279, %ne3A_280 : vector<16xi32>
      %lt3A = arith.constant 0 : i32
      %lt3A_282 = vector.broadcast %lt3A : i32 to vector<16xi32>
      %lt3A_283 = arith.cmpi ult, %rem3A_279, %lt3A_282 : vector<16xi32>
      %lt3A_284 = arith.constant 0 : i32
      %lt3A_285 = arith.cmpi ult, %select_n3A, %lt3A_284 : i32
      %ne3A_286 = vector.broadcast %lt3A_285 : i1 to vector<16xi1>
      %ne3A_287 = vector.broadcast %ne3A_286 : vector<16xi1> to vector<16xi1>
      %ne3A_288 = arith.xori %lt3A_283, %ne3A_287 : vector<16xi1>
      %and3A = arith.andi %ne3A_288, %ne3A_281 : vector<16xi1>
      %add3A_289 = vector.broadcast %select_n3A : i32 to vector<16xi32>
      %add3A_290 = arith.addi %rem3A_279, %add3A_289 : vector<16xi32>
      %select_n3A_291 = arith.select %and3A, %add3A_290, %rem3A_279 : vector<16xi1>, vector<16xi32>
      %mul3A_292 = arith.constant 16 : i32
      %mul3A_293 = arith.muli %scan3A_269, %mul3A_292 : i32
      %add3A_294 = vector.broadcast %mul3A_293 : i32 to vector<16xi32>
      %add3A_295 = arith.addi %add3A_294, %iota3A : vector<16xi32>
      %jit3A_296 = arith.constant 26 : i32
      %eq3A_297 = arith.constant 0 : i32
      %eq3A_298 = arith.cmpi eq, %jit3A_296, %eq3A_297 : i32
      %jit3A_299 = arith.constant 1 : i32
      %select_n3A_300 = arith.select %eq3A_298, %jit3A_299, %jit3A_296 : i32
      %rem3A_301 = vector.broadcast %select_n3A_300 : i32 to vector<16xi32>
      %rem3A_302 = arith.remsi %add3A_295, %rem3A_301 : vector<16xi32>
      %ne3A_303 = arith.constant 0 : i32
      %ne3A_304 = vector.broadcast %ne3A_303 : i32 to vector<16xi32>
      %ne3A_305 = arith.cmpi ne, %rem3A_302, %ne3A_304 : vector<16xi32>
      %lt3A_306 = arith.constant 0 : i32
      %lt3A_307 = vector.broadcast %lt3A_306 : i32 to vector<16xi32>
      %lt3A_308 = arith.cmpi slt, %rem3A_302, %lt3A_307 : vector<16xi32>
      %lt3A_309 = arith.constant 0 : i32
      %lt3A_310 = arith.cmpi slt, %select_n3A_300, %lt3A_309 : i32
      %ne3A_311 = vector.broadcast %lt3A_310 : i1 to vector<16xi1>
      %ne3A_312 = vector.broadcast %ne3A_311 : vector<16xi1> to vector<16xi1>
      %ne3A_313 = arith.xori %lt3A_308, %ne3A_312 : vector<16xi1>
      %and3A_314 = arith.andi %ne3A_313, %ne3A_305 : vector<16xi1>
      %add3A_315 = vector.broadcast %select_n3A_300 : i32 to vector<16xi32>
      %add3A_316 = arith.addi %rem3A_302, %add3A_315 : vector<16xi32>
      %select_n3A_317 = arith.select %and3A_314, %add3A_316, %rem3A_302 : vector<16xi1>, vector<16xi32>
      %mul3A_318 = arith.constant 1600000 : i32
      %mul3A_319 = vector.broadcast %mul3A_318 : i32 to vector<16xi32>
      %mul3A_320 = arith.muli %select_n3A_317, %mul3A_319 : vector<16xi32>
      %add3A_321 = arith.addi %select_n3A_291, %mul3A_320 : vector<16xi32>
      %mul3A_322 = arith.constant 16 : i32
      %mul3A_323 = arith.muli %scan3A_269, %mul3A_322 : i32
      %swap3A = arith.index_cast %mul3A_323 : i32 to index
      %swap3A_324 = tpu.vector_load %arg6[%swap3A] {strides = array<i32>} : memref<3328xi32, #tpu.memory_space<vmem>>, vector<16xi32>,
      %swap3A_325 = vector.shape_cast %swap3A_324 : vector<16xi32> to vector<16xi32>
      %swap3A_326 = vector.shape_cast %add3A_321 : vector<16xi32> to vector<16xi32>
      tpu.vector_store %arg6[%swap3A], %swap3A_326 {strides = array<i32>} : memref<3328xi32, #tpu.memory_space<vmem>>, vector<16xi32>,
    }
    %scan3A_7 = arith.constant 208 : i32
    %scan3A_8 = arith.constant 0 : i32
    %scan3A_9 = arith.constant 0 : i32
    %mul3A_10 = arith.constant 3328 : i32
    %mul3A_11 = arith.muli %scan3A_9, %mul3A_10 : i32
    %mul3A_12 = arith.constant 3328 : i32
    %mul3A_13 = arith.muli %scan3A_9, %mul3A_12 : i32
    %add3A_14 = arith.constant 0 : i32
    %add3A_15 = arith.addi %add3A_14, %mul3A_13 : i32
    %dma_start3A = tpu.memref_slice %arg7[%add3A_15] : memref<53248xf32, #tpu.memory_space<vmem>> -> memref<3328xf32, #tpu.memory_space<vmem>>
    %dma_start3A_16 = tpu.memref_slice %arg6[%mul3A_11] : memref<3328xi32, #tpu.memory_space<vmem>> -> memref<3328xi32, #tpu.memory_space<vmem>>
    %dma_start3A_17 = arith.constant 0 : i32
    %dma_start3A_18 = tpu.memref_slice %arg3[%dma_start3A_17] : memref<41600000xf32, #tpu.memory_space<hbm>> -> memref<40100000xf32, #tpu.memory_space<hbm>>
    %dma_start3A_19 = arith.constant 0 : i32
    %dma_start3A_20 = tpu.memref_slice %dma_start3A_18[%dma_start3A_19] : memref<40100000xf32, #tpu.memory_space<hbm>> -> memref<40100000xf32, #tpu.memory_space<hbm>>
    tpu.enqueue_indirect_dma source(%dma_start3A_20 : memref<40100000xf32, #tpu.memory_space<hbm>>) target(%dma_start3A : memref<3328xf32, #tpu.memory_space<vmem>>) offsets(%dma_start3A_16 : memref<3328xi32, #tpu.memory_space<vmem>>) semaphore(%arg8 : memref<!tpu.dma_semaphore, #tpu.memory_space<semaphore_mem>>)
    %mul3A_21 = arith.constant 3328 : i32
    %mul3A_22 = arith.muli %scan3A_9, %mul3A_21 : i32
    %add3A_23 = arith.constant 3328 : i32
    %add3A_24 = arith.addi %add3A_23, %mul3A_22 : i32
    %dma_start3A_25 = tpu.memref_slice %arg7[%add3A_24] : memref<53248xf32, #tpu.memory_space<vmem>> -> memref<3328xf32, #tpu.memory_space<vmem>>
    %dma_start3A_26 = tpu.memref_slice %arg6[%mul3A_11] : memref<3328xi32, #tpu.memory_space<vmem>> -> memref<3328xi32, #tpu.memory_space<vmem>>
    %dma_start3A_27 = arith.constant 100000 : i32
    %dma_start3A_28 = tpu.memref_slice %arg3[%dma_start3A_27] : memref<41600000xf32, #tpu.memory_space<hbm>> -> memref<40100000xf32, #tpu.memory_space<hbm>>
    %dma_start3A_29 = arith.constant 0 : i32
    %dma_start3A_30 = tpu.memref_slice %dma_start3A_28[%dma_start3A_29] : memref<40100000xf32, #tpu.memory_space<hbm>> -> memref<40100000xf32, #tpu.memory_space<hbm>>
    tpu.enqueue_indirect_dma source(%dma_start3A_30 : memref<40100000xf32, #tpu.memory_space<hbm>>) target(%dma_start3A_25 : memref<3328xf32, #tpu.memory_space<vmem>>) offsets(%dma_start3A_26 : memref<3328xi32, #tpu.memory_space<vmem>>) semaphore(%arg8 : memref<!tpu.dma_semaphore, #tpu.memory_space<semaphore_mem>>)
    %mul3A_31 = arith.constant 3328 : i32
    %mul3A_32 = arith.muli %scan3A_9, %mul3A_31 : i32
    %add3A_33 = arith.constant 6656 : i32
    %add3A_34 = arith.addi %add3A_33, %mul3A_32 : i32
    %dma_start3A_35 = tpu.memref_slice %arg7[%add3A_34] : memref<53248xf32, #tpu.memory_space<vmem>> -> memref<3328xf32, #tpu.memory_space<vmem>>
    %dma_start3A_36 = tpu.memref_slice %arg6[%mul3A_11] : memref<3328xi32, #tpu.memory_space<vmem>> -> memref<3328xi32, #tpu.memory_space<vmem>>
    %dma_start3A_37 = arith.constant 200000 : i32
    %dma_start3A_38 = tpu.memref_slice %arg3[%dma_start3A_37] : memref<41600000xf32, #tpu.memory_space<hbm>> -> memref<40100000xf32, #tpu.memory_space<hbm>>
    %dma_start3A_39 = arith.constant 0 : i32
    %dma_start3A_40 = tpu.memref_slice %dma_start3A_38[%dma_start3A_39] : memref<40100000xf32, #tpu.memory_space<hbm>> -> memref<40100000xf32, #tpu.memory_space<hbm>>
    tpu.enqueue_indirect_dma source(%dma_start3A_40 : memref<40100000xf32, #tpu.memory_space<hbm>>) target(%dma_start3A_35 : memref<3328xf32, #tpu.memory_space<vmem>>) offsets(%dma_start3A_36 : memref<3328xi32, #tpu.memory_space<vmem>>) semaphore(%arg8 : memref<!tpu.dma_semaphore, #tpu.memory_space<semaphore_mem>>)
    %mul3A_41 = arith.constant 3328 : i32
    %mul3A_42 = arith.muli %scan3A_9, %mul3A_41 : i32
    %add3A_43 = arith.constant 9984 : i32
    %add3A_44 = arith.addi %add3A_43, %mul3A_42 : i32
    %dma_start3A_45 = tpu.memref_slice %arg7[%add3A_44] : memref<53248xf32, #tpu.memory_space<vmem>> -> memref<3328xf32, #tpu.memory_space<vmem>>
    %dma_start3A_46 = tpu.memref_slice %arg6[%mul3A_11] : memref<3328xi32, #tpu.memory_space<vmem>> -> memref<3328xi32, #tpu.memory_space<vmem>>
    %dma_start3A_47 = arith.constant 300000 : i32
    %dma_start3A_48 = tpu.memref_slice %arg3[%dma_start3A_47] : memref<41600000xf32, #tpu.memory_space<hbm>> -> memref<40100000xf32, #tpu.memory_space<hbm>>
    %dma_start3A_49 = arith.constant 0 : i32
    %dma_start3A_50 = tpu.memref_slice %dma_start3A_48[%dma_start3A_49] : memref<40100000xf32, #tpu.memory_space<hbm>> -> memref<40100000xf32, #tpu.memory_space<hbm>>
    tpu.enqueue_indirect_dma source(%dma_start3A_50 : memref<40100000xf32, #tpu.memory_space<hbm>>) target(%dma_start3A_45 : memref<3328xf32, #tpu.memory_space<vmem>>) offsets(%dma_start3A_46 : memref<3328xi32, #tpu.memory_space<vmem>>) semaphore(%arg8 : memref<!tpu.dma_semaphore, #tpu.memory_space<semaphore_mem>>)
    %mul3A_51 = arith.constant 3328 : i32
    %mul3A_52 = arith.muli %scan3A_9, %mul3A_51 : i32
    %add3A_53 = arith.constant 13312 : i32
    %add3A_54 = arith.addi %add3A_53, %mul3A_52 : i32
    %dma_start3A_55 = tpu.memref_slice %arg7[%add3A_54] : memref<53248xf32, #tpu.memory_space<vmem>> -> memref<3328xf32, #tpu.memory_space<vmem>>
    %dma_start3A_56 = tpu.memref_slice %arg6[%mul3A_11] : memref<3328xi32, #tpu.memory_space<vmem>> -> memref<3328xi32, #tpu.memory_space<vmem>>
    %dma_start3A_57 = arith.constant 400000 : i32
    %dma_start3A_58 = tpu.memref_slice %arg3[%dma_start3A_57] : memref<41600000xf32, #tpu.memory_space<hbm>> -> memref<40100000xf32, #tpu.memory_space<hbm>>
    %dma_start3A_59 = arith.constant 0 : i32
    %dma_start3A_60 = tpu.memref_slice %dma_start3A_58[%dma_start3A_59] : memref<40100000xf32, #tpu.memory_space<hbm>> -> memref<40100000xf32, #tpu.memory_space<hbm>>
    tpu.enqueue_indirect_dma source(%dma_start3A_60 : memref<40100000xf32, #tpu.memory_space<hbm>>) target(%dma_start3A_55 : memref<3328xf32, #tpu.memory_space<vmem>>) offsets(%dma_start3A_56 : memref<3328xi32, #tpu.memory_space<vmem>>) semaphore(%arg8 : memref<!tpu.dma_semaphore, #tpu.memory_space<semaphore_mem>>)
    %mul3A_61 = arith.constant 3328 : i32
    %mul3A_62 = arith.muli %scan3A_9, %mul3A_61 : i32
    %add3A_63 = arith.constant 16640 : i32
    %add3A_64 = arith.addi %add3A_63, %mul3A_62 : i32
    %dma_start3A_65 = tpu.memref_slice %arg7[%add3A_64] : memref<53248xf32, #tpu.memory_space<vmem>> -> memref<3328xf32, #tpu.memory_space<vmem>>
    %dma_start3A_66 = tpu.memref_slice %arg6[%mul3A_11] : memref<3328xi32, #tpu.memory_space<vmem>> -> memref<3328xi32, #tpu.memory_space<vmem>>
    %dma_start3A_67 = arith.constant 500000 : i32
    %dma_start3A_68 = tpu.memref_slice %arg3[%dma_start3A_67] : memref<41600000xf32, #tpu.memory_space<hbm>> -> memref<40100000xf32, #tpu.memory_space<hbm>>
    %dma_start3A_69 = arith.constant 0 : i32
    %dma_start3A_70 = tpu.memref_slice %dma_start3A_68[%dma_start3A_69] : memref<40100000xf32, #tpu.memory_space<hbm>> -> memref<40100000xf32, #tpu.memory_space<hbm>>
    tpu.enqueue_indirect_dma source(%dma_start3A_70 : memref<40100000xf32, #tpu.memory_space<hbm>>) target(%dma_start3A_65 : memref<3328xf32, #tpu.memory_space<vmem>>) offsets(%dma_start3A_66 : memref<3328xi32, #tpu.memory_space<vmem>>) semaphore(%arg8 : memref<!tpu.dma_semaphore, #tpu.memory_space<semaphore_mem>>)
    %mul3A_71 = arith.constant 3328 : i32
    %mul3A_72 = arith.muli %scan3A_9, %mul3A_71 : i32
    %add3A_73 = arith.constant 19968 : i32
    %add3A_74 = arith.addi %add3A_73, %mul3A_72 : i32
    %dma_start3A_75 = tpu.memref_slice %arg7[%add3A_74] : memref<53248xf32, #tpu.memory_space<vmem>> -> memref<3328xf32, #tpu.memory_space<vmem>>
    %dma_start3A_76 = tpu.memref_slice %arg6[%mul3A_11] : memref<3328xi32, #tpu.memory_space<vmem>> -> memref<3328xi32, #tpu.memory_space<vmem>>
    %dma_start3A_77 = arith.constant 600000 : i32
    %dma_start3A_78 = tpu.memref_slice %arg3[%dma_start3A_77] : memref<41600000xf32, #tpu.memory_space<hbm>> -> memref<40100000xf32, #tpu.memory_space<hbm>>
    %dma_start3A_79 = arith.constant 0 : i32
    %dma_start3A_80 = tpu.memref_slice %dma_start3A_78[%dma_start3A_79] : memref<40100000xf32, #tpu.memory_space<hbm>> -> memref<40100000xf32, #tpu.memory_space<hbm>>
    tpu.enqueue_indirect_dma source(%dma_start3A_80 : memref<40100000xf32, #tpu.memory_space<hbm>>) target(%dma_start3A_75 : memref<3328xf32, #tpu.memory_space<vmem>>) offsets(%dma_start3A_76 : memref<3328xi32, #tpu.memory_space<vmem>>) semaphore(%arg8 : memref<!tpu.dma_semaphore, #tpu.memory_space<semaphore_mem>>)
    %mul3A_81 = arith.constant 3328 : i32
    %mul3A_82 = arith.muli %scan3A_9, %mul3A_81 : i32
    %add3A_83 = arith.constant 23296 : i32
    %add3A_84 = arith.addi %add3A_83, %mul3A_82 : i32
    %dma_start3A_85 = tpu.memref_slice %arg7[%add3A_84] : memref<53248xf32, #tpu.memory_space<vmem>> -> memref<3328xf32, #tpu.memory_space<vmem>>
    %dma_start3A_86 = tpu.memref_slice %arg6[%mul3A_11] : memref<3328xi32, #tpu.memory_space<vmem>> -> memref<3328xi32, #tpu.memory_space<vmem>>
    %dma_start3A_87 = arith.constant 700000 : i32
    %dma_start3A_88 = tpu.memref_slice %arg3[%dma_start3A_87] : memref<41600000xf32, #tpu.memory_space<hbm>> -> memref<40100000xf32, #tpu.memory_space<hbm>>
    %dma_start3A_89 = arith.constant 0 : i32
    %dma_start3A_90 = tpu.memref_slice %dma_start3A_88[%dma_start3A_89] : memref<40100000xf32, #tpu.memory_space<hbm>> -> memref<40100000xf32, #tpu.memory_space<hbm>>
    tpu.enqueue_indirect_dma source(%dma_start3A_90 : memref<40100000xf32, #tpu.memory_space<hbm>>) target(%dma_start3A_85 : memref<3328xf32, #tpu.memory_space<vmem>>) offsets(%dma_start3A_86 : memref<3328xi32, #tpu.memory_space<vmem>>) semaphore(%arg8 : memref<!tpu.dma_semaphore, #tpu.memory_space<semaphore_mem>>)
    %mul3A_91 = arith.constant 3328 : i32
    %mul3A_92 = arith.muli %scan3A_9, %mul3A_91 : i32
    %add3A_93 = arith.constant 26624 : i32
    %add3A_94 = arith.addi %add3A_93, %mul3A_92 : i32
    %dma_start3A_95 = tpu.memref_slice %arg7[%add3A_94] : memref<53248xf32, #tpu.memory_space<vmem>> -> memref<3328xf32, #tpu.memory_space<vmem>>
    %dma_start3A_96 = tpu.memref_slice %arg6[%mul3A_11] : memref<3328xi32, #tpu.memory_space<vmem>> -> memref<3328xi32, #tpu.memory_space<vmem>>
    %dma_start3A_97 = arith.constant 800000 : i32
    %dma_start3A_98 = tpu.memref_slice %arg3[%dma_start3A_97] : memref<41600000xf32, #tpu.memory_space<hbm>> -> memref<40100000xf32, #tpu.memory_space<hbm>>
    %dma_start3A_99 = arith.constant 0 : i32
    %dma_start3A_100 = tpu.memref_slice %dma_start3A_98[%dma_start3A_99] : memref<40100000xf32, #tpu.memory_space<hbm>> -> memref<40100000xf32, #tpu.memory_space<hbm>>
    tpu.enqueue_indirect_dma source(%dma_start3A_100 : memref<40100000xf32, #tpu.memory_space<hbm>>) target(%dma_start3A_95 : memref<3328xf32, #tpu.memory_space<vmem>>) offsets(%dma_start3A_96 : memref<3328xi32, #tpu.memory_space<vmem>>) semaphore(%arg8 : memref<!tpu.dma_semaphore, #tpu.memory_space<semaphore_mem>>)
    %mul3A_101 = arith.constant 3328 : i32
    %mul3A_102 = arith.muli %scan3A_9, %mul3A_101 : i32
    %add3A_103 = arith.constant 29952 : i32
    %add3A_104 = arith.addi %add3A_103, %mul3A_102 : i32
    %dma_start3A_105 = tpu.memref_slice %arg7[%add3A_104] : memref<53248xf32, #tpu.memory_space<vmem>> -> memref<3328xf32, #tpu.memory_space<vmem>>
    %dma_start3A_106 = tpu.memref_slice %arg6[%mul3A_11] : memref<3328xi32, #tpu.memory_space<vmem>> -> memref<3328xi32, #tpu.memory_space<vmem>>
    %dma_start3A_107 = arith.constant 900000 : i32
    %dma_start3A_108 = tpu.memref_slice %arg3[%dma_start3A_107] : memref<41600000xf32, #tpu.memory_space<hbm>> -> memref<40100000xf32, #tpu.memory_space<hbm>>
    %dma_start3A_109 = arith.constant 0 : i32
    %dma_start3A_110 = tpu.memref_slice %dma_start3A_108[%dma_start3A_109] : memref<40100000xf32, #tpu.memory_space<hbm>> -> memref<40100000xf32, #tpu.memory_space<hbm>>
    tpu.enqueue_indirect_dma source(%dma_start3A_110 : memref<40100000xf32, #tpu.memory_space<hbm>>) target(%dma_start3A_105 : memref<3328xf32, #tpu.memory_space<vmem>>) offsets(%dma_start3A_106 : memref<3328xi32, #tpu.memory_space<vmem>>) semaphore(%arg8 : memref<!tpu.dma_semaphore, #tpu.memory_space<semaphore_mem>>)
    %mul3A_111 = arith.constant 3328 : i32
    %mul3A_112 = arith.muli %scan3A_9, %mul3A_111 : i32
    %add3A_113 = arith.constant 33280 : i32
    %add3A_114 = arith.addi %add3A_113, %mul3A_112 : i32
    %dma_start3A_115 = tpu.memref_slice %arg7[%add3A_114] : memref<53248xf32, #tpu.memory_space<vmem>> -> memref<3328xf32, #tpu.memory_space<vmem>>
    %dma_start3A_116 = tpu.memref_slice %arg6[%mul3A_11] : memref<3328xi32, #tpu.memory_space<vmem>> -> memref<3328xi32, #tpu.memory_space<vmem>>
    %dma_start3A_117 = arith.constant 1000000 : i32
    %dma_start3A_118 = tpu.memref_slice %arg3[%dma_start3A_117] : memref<41600000xf32, #tpu.memory_space<hbm>> -> memref<40100000xf32, #tpu.memory_space<hbm>>
    %dma_start3A_119 = arith.constant 0 : i32
    %dma_start3A_120 = tpu.memref_slice %dma_start3A_118[%dma_start3A_119] : memref<40100000xf32, #tpu.memory_space<hbm>> -> memref<40100000xf32, #tpu.memory_space<hbm>>
    tpu.enqueue_indirect_dma source(%dma_start3A_120 : memref<40100000xf32, #tpu.memory_space<hbm>>) target(%dma_start3A_115 : memref<3328xf32, #tpu.memory_space<vmem>>) offsets(%dma_start3A_116 : memref<3328xi32, #tpu.memory_space<vmem>>) semaphore(%arg8 : memref<!tpu.dma_semaphore, #tpu.memory_space<semaphore_mem>>)
    %mul3A_121 = arith.constant 3328 : i32
    %mul3A_122 = arith.muli %scan3A_9, %mul3A_121 : i32
    %add3A_123 = arith.constant 36608 : i32
    %add3A_124 = arith.addi %add3A_123, %mul3A_122 : i32
    %dma_start3A_125 = tpu.memref_slice %arg7[%add3A_124] : memref<53248xf32, #tpu.memory_space<vmem>> -> memref<3328xf32, #tpu.memory_space<vmem>>
    %dma_start3A_126 = tpu.memref_slice %arg6[%mul3A_11] : memref<3328xi32, #tpu.memory_space<vmem>> -> memref<3328xi32, #tpu.memory_space<vmem>>
    %dma_start3A_127 = arith.constant 1100000 : i32
    %dma_start3A_128 = tpu.memref_slice %arg3[%dma_start3A_127] : memref<41600000xf32, #tpu.memory_space<hbm>> -> memref<40100000xf32, #tpu.memory_space<hbm>>
    %dma_start3A_129 = arith.constant 0 : i32
    %dma_start3A_130 = tpu.memref_slice %dma_start3A_128[%dma_start3A_129] : memref<40100000xf32, #tpu.memory_space<hbm>> -> memref<40100000xf32, #tpu.memory_space<hbm>>
    tpu.enqueue_indirect_dma source(%dma_start3A_130 : memref<40100000xf32, #tpu.memory_space<hbm>>) target(%dma_start3A_125 : memref<3328xf32, #tpu.memory_space<vmem>>) offsets(%dma_start3A_126 : memref<3328xi32, #tpu.memory_space<vmem>>) semaphore(%arg8 : memref<!tpu.dma_semaphore, #tpu.memory_space<semaphore_mem>>)
    %mul3A_131 = arith.constant 3328 : i32
    %mul3A_132 = arith.muli %scan3A_9, %mul3A_131 : i32
    %add3A_133 = arith.constant 39936 : i32
    %add3A_134 = arith.addi %add3A_133, %mul3A_132 : i32
    %dma_start3A_135 = tpu.memref_slice %arg7[%add3A_134] : memref<53248xf32, #tpu.memory_space<vmem>> -> memref<3328xf32, #tpu.memory_space<vmem>>
    %dma_start3A_136 = tpu.memref_slice %arg6[%mul3A_11] : memref<3328xi32, #tpu.memory_space<vmem>> -> memref<3328xi32, #tpu.memory_space<vmem>>
    %dma_start3A_137 = arith.constant 1200000 : i32
    %dma_start3A_138 = tpu.memref_slice %arg3[%dma_start3A_137] : memref<41600000xf32, #tpu.memory_space<hbm>> -> memref<40100000xf32, #tpu.memory_space<hbm>>
    %dma_start3A_139 = arith.constant 0 : i32
    %dma_start3A_140 = tpu.memref_slice %dma_start3A_138[%dma_start3A_139] : memref<40100000xf32, #tpu.memory_space<hbm>> -> memref<40100000xf32, #tpu.memory_space<hbm>>
    tpu.enqueue_indirect_dma source(%dma_start3A_140 : memref<40100000xf32, #tpu.memory_space<hbm>>) target(%dma_start3A_135 : memref<3328xf32, #tpu.memory_space<vmem>>) offsets(%dma_start3A_136 : memref<3328xi32, #tpu.memory_space<vmem>>) semaphore(%arg8 : memref<!tpu.dma_semaphore, #tpu.memory_space<semaphore_mem>>)
    %mul3A_141 = arith.constant 3328 : i32
    %mul3A_142 = arith.muli %scan3A_9, %mul3A_141 : i32
    %add3A_143 = arith.constant 43264 : i32
    %add3A_144 = arith.addi %add3A_143, %mul3A_142 : i32
    %dma_start3A_145 = tpu.memref_slice %arg7[%add3A_144] : memref<53248xf32, #tpu.memory_space<vmem>> -> memref<3328xf32, #tpu.memory_space<vmem>>
    %dma_start3A_146 = tpu.memref_slice %arg6[%mul3A_11] : memref<3328xi32, #tpu.memory_space<vmem>> -> memref<3328xi32, #tpu.memory_space<vmem>>
    %dma_start3A_147 = arith.constant 1300000 : i32
    %dma_start3A_148 = tpu.memref_slice %arg3[%dma_start3A_147] : memref<41600000xf32, #tpu.memory_space<hbm>> -> memref<40100000xf32, #tpu.memory_space<hbm>>
    %dma_start3A_149 = arith.constant 0 : i32
    %dma_start3A_150 = tpu.memref_slice %dma_start3A_148[%dma_start3A_149] : memref<40100000xf32, #tpu.memory_space<hbm>> -> memref<40100000xf32, #tpu.memory_space<hbm>>
    tpu.enqueue_indirect_dma source(%dma_start3A_150 : memref<40100000xf32, #tpu.memory_space<hbm>>) target(%dma_start3A_145 : memref<3328xf32, #tpu.memory_space<vmem>>) offsets(%dma_start3A_146 : memref<3328xi32, #tpu.memory_space<vmem>>) semaphore(%arg8 : memref<!tpu.dma_semaphore, #tpu.memory_space<semaphore_mem>>)
    %mul3A_151 = arith.constant 3328 : i32
    %mul3A_152 = arith.muli %scan3A_9, %mul3A_151 : i32
    %add3A_153 = arith.constant 46592 : i32
    %add3A_154 = arith.addi %add3A_153, %mul3A_152 : i32
    %dma_start3A_155 = tpu.memref_slice %arg7[%add3A_154] : memref<53248xf32, #tpu.memory_space<vmem>> -> memref<3328xf32, #tpu.memory_space<vmem>>
    %dma_start3A_156 = tpu.memref_slice %arg6[%mul3A_11] : memref<3328xi32, #tpu.memory_space<vmem>> -> memref<3328xi32, #tpu.memory_space<vmem>>
    %dma_start3A_157 = arith.constant 1400000 : i32
    %dma_start3A_158 = tpu.memref_slice %arg3[%dma_start3A_157] : memref<41600000xf32, #tpu.memory_space<hbm>> -> memref<40100000xf32, #tpu.memory_space<hbm>>
    %dma_start3A_159 = arith.constant 0 : i32
    %dma_start3A_160 = tpu.memref_slice %dma_start3A_158[%dma_start3A_159] : memref<40100000xf32, #tpu.memory_space<hbm>> -> memref<40100000xf32, #tpu.memory_space<hbm>>
    tpu.enqueue_indirect_dma source(%dma_start3A_160 : memref<40100000xf32, #tpu.memory_space<hbm>>) target(%dma_start3A_155 : memref<3328xf32, #tpu.memory_space<vmem>>) offsets(%dma_start3A_156 : memref<3328xi32, #tpu.memory_space<vmem>>) semaphore(%arg8 : memref<!tpu.dma_semaphore, #tpu.memory_space<semaphore_mem>>)
    %mul3A_161 = arith.constant 3328 : i32
    %mul3A_162 = arith.muli %scan3A_9, %mul3A_161 : i32
    %add3A_163 = arith.constant 49920 : i32
    %add3A_164 = arith.addi %add3A_163, %mul3A_162 : i32
    %dma_start3A_165 = tpu.memref_slice %arg7[%add3A_164] : memref<53248xf32, #tpu.memory_space<vmem>> -> memref<3328xf32, #tpu.memory_space<vmem>>
    %dma_start3A_166 = tpu.memref_slice %arg6[%mul3A_11] : memref<3328xi32, #tpu.memory_space<vmem>> -> memref<3328xi32, #tpu.memory_space<vmem>>
    %dma_start3A_167 = arith.constant 1500000 : i32
    %dma_start3A_168 = tpu.memref_slice %arg3[%dma_start3A_167] : memref<41600000xf32, #tpu.memory_space<hbm>> -> memref<40100000xf32, #tpu.memory_space<hbm>>
    %dma_start3A_169 = arith.constant 0 : i32
    %dma_start3A_170 = tpu.memref_slice %dma_start3A_168[%dma_start3A_169] : memref<40100000xf32, #tpu.memory_space<hbm>> -> memref<40100000xf32, #tpu.memory_space<hbm>>
    tpu.enqueue_indirect_dma source(%dma_start3A_170 : memref<40100000xf32, #tpu.memory_space<hbm>>) target(%dma_start3A_165 : memref<3328xf32, #tpu.memory_space<vmem>>) offsets(%dma_start3A_166 : memref<3328xi32, #tpu.memory_space<vmem>>) semaphore(%arg8 : memref<!tpu.dma_semaphore, #tpu.memory_space<semaphore_mem>>)
    %dma_wait3A = tpu.memref_slice %arg7[%add3A_15] : memref<53248xf32, #tpu.memory_space<vmem>> -> memref<3328xf32, #tpu.memory_space<vmem>>
    %dma_wait3A_171 = tpu.memref_slice %arg6[%mul3A_11] : memref<3328xi32, #tpu.memory_space<vmem>> -> memref<3328xi32, #tpu.memory_space<vmem>>
    %dma_wait3A_172 = arith.constant 0 : i32
    %dma_wait3A_173 = tpu.memref_slice %arg3[%dma_wait3A_172] : memref<41600000xf32, #tpu.memory_space<hbm>> -> memref<40100000xf32, #tpu.memory_space<hbm>>
    %dma_wait3A_174 = arith.constant 0 : i32
    %dma_wait3A_175 = tpu.memref_slice %dma_wait3A_173[%dma_wait3A_174] : memref<40100000xf32, #tpu.memory_space<hbm>> -> memref<40100000xf32, #tpu.memory_space<hbm>>
    tpu.wait_indirect_dma semaphore(%arg8 : memref<!tpu.dma_semaphore, #tpu.memory_space<semaphore_mem>>) src(%dma_wait3A_175 : memref<40100000xf32, #tpu.memory_space<hbm>>) dst(%dma_wait3A : memref<3328xf32, #tpu.memory_space<vmem>>)
    %dma_wait3A_176 = tpu.memref_slice %arg7[%add3A_24] : memref<53248xf32, #tpu.memory_space<vmem>> -> memref<3328xf32, #tpu.memory_space<vmem>>
    %dma_wait3A_177 = tpu.memref_slice %arg6[%mul3A_11] : memref<3328xi32, #tpu.memory_space<vmem>> -> memref<3328xi32, #tpu.memory_space<vmem>>
    %dma_wait3A_178 = arith.constant 100000 : i32
    %dma_wait3A_179 = tpu.memref_slice %arg3[%dma_wait3A_178] : memref<41600000xf32, #tpu.memory_space<hbm>> -> memref<40100000xf32, #tpu.memory_space<hbm>>
    %dma_wait3A_180 = arith.constant 0 : i32
    %dma_wait3A_181 = tpu.memref_slice %dma_wait3A_179[%dma_wait3A_180] : memref<40100000xf32, #tpu.memory_space<hbm>> -> memref<40100000xf32, #tpu.memory_space<hbm>>
    tpu.wait_indirect_dma semaphore(%arg8 : memref<!tpu.dma_semaphore, #tpu.memory_space<semaphore_mem>>) src(%dma_wait3A_181 : memref<40100000xf32, #tpu.memory_space<hbm>>) dst(%dma_wait3A_176 : memref<3328xf32, #tpu.memory_space<vmem>>)
    %dma_wait3A_182 = tpu.memref_slice %arg7[%add3A_34] : memref<53248xf32, #tpu.memory_space<vmem>> -> memref<3328xf32, #tpu.memory_space<vmem>>
    %dma_wait3A_183 = tpu.memref_slice %arg6[%mul3A_11] : memref<3328xi32, #tpu.memory_space<vmem>> -> memref<3328xi32, #tpu.memory_space<vmem>>
    %dma_wait3A_184 = arith.constant 200000 : i32
    %dma_wait3A_185 = tpu.memref_slice %arg3[%dma_wait3A_184] : memref<41600000xf32, #tpu.memory_space<hbm>> -> memref<40100000xf32, #tpu.memory_space<hbm>>
    %dma_wait3A_186 = arith.constant 0 : i32
    %dma_wait3A_187 = tpu.memref_slice %dma_wait3A_185[%dma_wait3A_186] : memref<40100000xf32, #tpu.memory_space<hbm>> -> memref<40100000xf32, #tpu.memory_space<hbm>>
    tpu.wait_indirect_dma semaphore(%arg8 : memref<!tpu.dma_semaphore, #tpu.memory_space<semaphore_mem>>) src(%dma_wait3A_187 : memref<40100000xf32, #tpu.memory_space<hbm>>) dst(%dma_wait3A_182 : memref<3328xf32, #tpu.memory_space<vmem>>)
    %dma_wait3A_188 = tpu.memref_slice %arg7[%add3A_44] : memref<53248xf32, #tpu.memory_space<vmem>> -> memref<3328xf32, #tpu.memory_space<vmem>>
    %dma_wait3A_189 = tpu.memref_slice %arg6[%mul3A_11] : memref<3328xi32, #tpu.memory_space<vmem>> -> memref<3328xi32, #tpu.memory_space<vmem>>
    %dma_wait3A_190 = arith.constant 300000 : i32
    %dma_wait3A_191 = tpu.memref_slice %arg3[%dma_wait3A_190] : memref<41600000xf32, #tpu.memory_space<hbm>> -> memref<40100000xf32, #tpu.memory_space<hbm>>
    %dma_wait3A_192 = arith.constant 0 : i32
    %dma_wait3A_193 = tpu.memref_slice %dma_wait3A_191[%dma_wait3A_192] : memref<40100000xf32, #tpu.memory_space<hbm>> -> memref<40100000xf32, #tpu.memory_space<hbm>>
    tpu.wait_indirect_dma semaphore(%arg8 : memref<!tpu.dma_semaphore, #tpu.memory_space<semaphore_mem>>) src(%dma_wait3A_193 : memref<40100000xf32, #tpu.memory_space<hbm>>) dst(%dma_wait3A_188 : memref<3328xf32, #tpu.memory_space<vmem>>)
    %dma_wait3A_194 = tpu.memref_slice %arg7[%add3A_54] : memref<53248xf32, #tpu.memory_space<vmem>> -> memref<3328xf32, #tpu.memory_space<vmem>>
    %dma_wait3A_195 = tpu.memref_slice %arg6[%mul3A_11] : memref<3328xi32, #tpu.memory_space<vmem>> -> memref<3328xi32, #tpu.memory_space<vmem>>
    %dma_wait3A_196 = arith.constant 400000 : i32
    %dma_wait3A_197 = tpu.memref_slice %arg3[%dma_wait3A_196] : memref<41600000xf32, #tpu.memory_space<hbm>> -> memref<40100000xf32, #tpu.memory_space<hbm>>
    %dma_wait3A_198 = arith.constant 0 : i32
    %dma_wait3A_199 = tpu.memref_slice %dma_wait3A_197[%dma_wait3A_198] : memref<40100000xf32, #tpu.memory_space<hbm>> -> memref<40100000xf32, #tpu.memory_space<hbm>>
    tpu.wait_indirect_dma semaphore(%arg8 : memref<!tpu.dma_semaphore, #tpu.memory_space<semaphore_mem>>) src(%dma_wait3A_199 : memref<40100000xf32, #tpu.memory_space<hbm>>) dst(%dma_wait3A_194 : memref<3328xf32, #tpu.memory_space<vmem>>)
    %dma_wait3A_200 = tpu.memref_slice %arg7[%add3A_64] : memref<53248xf32, #tpu.memory_space<vmem>> -> memref<3328xf32, #tpu.memory_space<vmem>>
    %dma_wait3A_201 = tpu.memref_slice %arg6[%mul3A_11] : memref<3328xi32, #tpu.memory_space<vmem>> -> memref<3328xi32, #tpu.memory_space<vmem>>
    %dma_wait3A_202 = arith.constant 500000 : i32
    %dma_wait3A_203 = tpu.memref_slice %arg3[%dma_wait3A_202] : memref<41600000xf32, #tpu.memory_space<hbm>> -> memref<40100000xf32, #tpu.memory_space<hbm>>
    %dma_wait3A_204 = arith.constant 0 : i32
    %dma_wait3A_205 = tpu.memref_slice %dma_wait3A_203[%dma_wait3A_204] : memref<40100000xf32, #tpu.memory_space<hbm>> -> memref<40100000xf32, #tpu.memory_space<hbm>>
    tpu.wait_indirect_dma semaphore(%arg8 : memref<!tpu.dma_semaphore, #tpu.memory_space<semaphore_mem>>) src(%dma_wait3A_205 : memref<40100000xf32, #tpu.memory_space<hbm>>) dst(%dma_wait3A_200 : memref<3328xf32, #tpu.memory_space<vmem>>)
    %dma_wait3A_206 = tpu.memref_slice %arg7[%add3A_74] : memref<53248xf32, #tpu.memory_space<vmem>> -> memref<3328xf32, #tpu.memory_space<vmem>>
    %dma_wait3A_207 = tpu.memref_slice %arg6[%mul3A_11] : memref<3328xi32, #tpu.memory_space<vmem>> -> memref<3328xi32, #tpu.memory_space<vmem>>
    %dma_wait3A_208 = arith.constant 600000 : i32
    %dma_wait3A_209 = tpu.memref_slice %arg3[%dma_wait3A_208] : memref<41600000xf32, #tpu.memory_space<hbm>> -> memref<40100000xf32, #tpu.memory_space<hbm>>
    %dma_wait3A_210 = arith.constant 0 : i32
    %dma_wait3A_211 = tpu.memref_slice %dma_wait3A_209[%dma_wait3A_210] : memref<40100000xf32, #tpu.memory_space<hbm>> -> memref<40100000xf32, #tpu.memory_space<hbm>>
    tpu.wait_indirect_dma semaphore(%arg8 : memref<!tpu.dma_semaphore, #tpu.memory_space<semaphore_mem>>) src(%dma_wait3A_211 : memref<40100000xf32, #tpu.memory_space<hbm>>) dst(%dma_wait3A_206 : memref<3328xf32, #tpu.memory_space<vmem>>)
    %dma_wait3A_212 = tpu.memref_slice %arg7[%add3A_84] : memref<53248xf32, #tpu.memory_space<vmem>> -> memref<3328xf32, #tpu.memory_space<vmem>>
    %dma_wait3A_213 = tpu.memref_slice %arg6[%mul3A_11] : memref<3328xi32, #tpu.memory_space<vmem>> -> memref<3328xi32, #tpu.memory_space<vmem>>
    %dma_wait3A_214 = arith.constant 700000 : i32
    %dma_wait3A_215 = tpu.memref_slice %arg3[%dma_wait3A_214] : memref<41600000xf32, #tpu.memory_space<hbm>> -> memref<40100000xf32, #tpu.memory_space<hbm>>
    %dma_wait3A_216 = arith.constant 0 : i32
    %dma_wait3A_217 = tpu.memref_slice %dma_wait3A_215[%dma_wait3A_216] : memref<40100000xf32, #tpu.memory_space<hbm>> -> memref<40100000xf32, #tpu.memory_space<hbm>>
    tpu.wait_indirect_dma semaphore(%arg8 : memref<!tpu.dma_semaphore, #tpu.memory_space<semaphore_mem>>) src(%dma_wait3A_217 : memref<40100000xf32, #tpu.memory_space<hbm>>) dst(%dma_wait3A_212 : memref<3328xf32, #tpu.memory_space<vmem>>)
    %dma_wait3A_218 = tpu.memref_slice %arg7[%add3A_94] : memref<53248xf32, #tpu.memory_space<vmem>> -> memref<3328xf32, #tpu.memory_space<vmem>>
    %dma_wait3A_219 = tpu.memref_slice %arg6[%mul3A_11] : memref<3328xi32, #tpu.memory_space<vmem>> -> memref<3328xi32, #tpu.memory_space<vmem>>
    %dma_wait3A_220 = arith.constant 800000 : i32
    %dma_wait3A_221 = tpu.memref_slice %arg3[%dma_wait3A_220] : memref<41600000xf32, #tpu.memory_space<hbm>> -> memref<40100000xf32, #tpu.memory_space<hbm>>
    %dma_wait3A_222 = arith.constant 0 : i32
    %dma_wait3A_223 = tpu.memref_slice %dma_wait3A_221[%dma_wait3A_222] : memref<40100000xf32, #tpu.memory_space<hbm>> -> memref<40100000xf32, #tpu.memory_space<hbm>>
    tpu.wait_indirect_dma semaphore(%arg8 : memref<!tpu.dma_semaphore, #tpu.memory_space<semaphore_mem>>) src(%dma_wait3A_223 : memref<40100000xf32, #tpu.memory_space<hbm>>) dst(%dma_wait3A_218 : memref<3328xf32, #tpu.memory_space<vmem>>)
    %dma_wait3A_224 = tpu.memref_slice %arg7[%add3A_104] : memref<53248xf32, #tpu.memory_space<vmem>> -> memref<3328xf32, #tpu.memory_space<vmem>>
    %dma_wait3A_225 = tpu.memref_slice %arg6[%mul3A_11] : memref<3328xi32, #tpu.memory_space<vmem>> -> memref<3328xi32, #tpu.memory_space<vmem>>
    %dma_wait3A_226 = arith.constant 900000 : i32
    %dma_wait3A_227 = tpu.memref_slice %arg3[%dma_wait3A_226] : memref<41600000xf32, #tpu.memory_space<hbm>> -> memref<40100000xf32, #tpu.memory_space<hbm>>
    %dma_wait3A_228 = arith.constant 0 : i32
    %dma_wait3A_229 = tpu.memref_slice %dma_wait3A_227[%dma_wait3A_228] : memref<40100000xf32, #tpu.memory_space<hbm>> -> memref<40100000xf32, #tpu.memory_space<hbm>>
    tpu.wait_indirect_dma semaphore(%arg8 : memref<!tpu.dma_semaphore, #tpu.memory_space<semaphore_mem>>) src(%dma_wait3A_229 : memref<40100000xf32, #tpu.memory_space<hbm>>) dst(%dma_wait3A_224 : memref<3328xf32, #tpu.memory_space<vmem>>)
    %dma_wait3A_230 = tpu.memref_slice %arg7[%add3A_114] : memref<53248xf32, #tpu.memory_space<vmem>> -> memref<3328xf32, #tpu.memory_space<vmem>>
    %dma_wait3A_231 = tpu.memref_slice %arg6[%mul3A_11] : memref<3328xi32, #tpu.memory_space<vmem>> -> memref<3328xi32, #tpu.memory_space<vmem>>
    %dma_wait3A_232 = arith.constant 1000000 : i32
    %dma_wait3A_233 = tpu.memref_slice %arg3[%dma_wait3A_232] : memref<41600000xf32, #tpu.memory_space<hbm>> -> memref<40100000xf32, #tpu.memory_space<hbm>>
    %dma_wait3A_234 = arith.constant 0 : i32
    %dma_wait3A_235 = tpu.memref_slice %dma_wait3A_233[%dma_wait3A_234] : memref<40100000xf32, #tpu.memory_space<hbm>> -> memref<40100000xf32, #tpu.memory_space<hbm>>
    tpu.wait_indirect_dma semaphore(%arg8 : memref<!tpu.dma_semaphore, #tpu.memory_space<semaphore_mem>>) src(%dma_wait3A_235 : memref<40100000xf32, #tpu.memory_space<hbm>>) dst(%dma_wait3A_230 : memref<3328xf32, #tpu.memory_space<vmem>>)
    %dma_wait3A_236 = tpu.memref_slice %arg7[%add3A_124] : memref<53248xf32, #tpu.memory_space<vmem>> -> memref<3328xf32, #tpu.memory_space<vmem>>
    %dma_wait3A_237 = tpu.memref_slice %arg6[%mul3A_11] : memref<3328xi32, #tpu.memory_space<vmem>> -> memref<3328xi32, #tpu.memory_space<vmem>>
    %dma_wait3A_238 = arith.constant 1100000 : i32
    %dma_wait3A_239 = tpu.memref_slice %arg3[%dma_wait3A_238] : memref<41600000xf32, #tpu.memory_space<hbm>> -> memref<40100000xf32, #tpu.memory_space<hbm>>
    %dma_wait3A_240 = arith.constant 0 : i32
    %dma_wait3A_241 = tpu.memref_slice %dma_wait3A_239[%dma_wait3A_240] : memref<40100000xf32, #tpu.memory_space<hbm>> -> memref<40100000xf32, #tpu.memory_space<hbm>>
    tpu.wait_indirect_dma semaphore(%arg8 : memref<!tpu.dma_semaphore, #tpu.memory_space<semaphore_mem>>) src(%dma_wait3A_241 : memref<40100000xf32, #tpu.memory_space<hbm>>) dst(%dma_wait3A_236 : memref<3328xf32, #tpu.memory_space<vmem>>)
    %dma_wait3A_242 = tpu.memref_slice %arg7[%add3A_134] : memref<53248xf32, #tpu.memory_space<vmem>> -> memref<3328xf32, #tpu.memory_space<vmem>>
    %dma_wait3A_243 = tpu.memref_slice %arg6[%mul3A_11] : memref<3328xi32, #tpu.memory_space<vmem>> -> memref<3328xi32, #tpu.memory_space<vmem>>
    %dma_wait3A_244 = arith.constant 1200000 : i32
    %dma_wait3A_245 = tpu.memref_slice %arg3[%dma_wait3A_244] : memref<41600000xf32, #tpu.memory_space<hbm>> -> memref<40100000xf32, #tpu.memory_space<hbm>>
    %dma_wait3A_246 = arith.constant 0 : i32
    %dma_wait3A_247 = tpu.memref_slice %dma_wait3A_245[%dma_wait3A_246] : memref<40100000xf32, #tpu.memory_space<hbm>> -> memref<40100000xf32, #tpu.memory_space<hbm>>
    tpu.wait_indirect_dma semaphore(%arg8 : memref<!tpu.dma_semaphore, #tpu.memory_space<semaphore_mem>>) src(%dma_wait3A_247 : memref<40100000xf32, #tpu.memory_space<hbm>>) dst(%dma_wait3A_242 : memref<3328xf32, #tpu.memory_space<vmem>>)
    %dma_wait3A_248 = tpu.memref_slice %arg7[%add3A_144] : memref<53248xf32, #tpu.memory_space<vmem>> -> memref<3328xf32, #tpu.memory_space<vmem>>
    %dma_wait3A_249 = tpu.memref_slice %arg6[%mul3A_11] : memref<3328xi32, #tpu.memory_space<vmem>> -> memref<3328xi32, #tpu.memory_space<vmem>>
    %dma_wait3A_250 = arith.constant 1300000 : i32
    %dma_wait3A_251 = tpu.memref_slice %arg3[%dma_wait3A_250] : memref<41600000xf32, #tpu.memory_space<hbm>> -> memref<40100000xf32, #tpu.memory_space<hbm>>
    %dma_wait3A_252 = arith.constant 0 : i32
    %dma_wait3A_253 = tpu.memref_slice %dma_wait3A_251[%dma_wait3A_252] : memref<40100000xf32, #tpu.memory_space<hbm>> -> memref<40100000xf32, #tpu.memory_space<hbm>>
    tpu.wait_indirect_dma semaphore(%arg8 : memref<!tpu.dma_semaphore, #tpu.memory_space<semaphore_mem>>) src(%dma_wait3A_253 : memref<40100000xf32, #tpu.memory_space<hbm>>) dst(%dma_wait3A_248 : memref<3328xf32, #tpu.memory_space<vmem>>)
    %dma_wait3A_254 = tpu.memref_slice %arg7[%add3A_154] : memref<53248xf32, #tpu.memory_space<vmem>> -> memref<3328xf32, #tpu.memory_space<vmem>>
    %dma_wait3A_255 = tpu.memref_slice %arg6[%mul3A_11] : memref<3328xi32, #tpu.memory_space<vmem>> -> memref<3328xi32, #tpu.memory_space<vmem>>
    %dma_wait3A_256 = arith.constant 1400000 : i32
    %dma_wait3A_257 = tpu.memref_slice %arg3[%dma_wait3A_256] : memref<41600000xf32, #tpu.memory_space<hbm>> -> memref<40100000xf32, #tpu.memory_space<hbm>>
    %dma_wait3A_258 = arith.constant 0 : i32
    %dma_wait3A_259 = tpu.memref_slice %dma_wait3A_257[%dma_wait3A_258] : memref<40100000xf32, #tpu.memory_space<hbm>> -> memref<40100000xf32, #tpu.memory_space<hbm>>
    tpu.wait_indirect_dma semaphore(%arg8 : memref<!tpu.dma_semaphore, #tpu.memory_space<semaphore_mem>>) src(%dma_wait3A_259 : memref<40100000xf32, #tpu.memory_space<hbm>>) dst(%dma_wait3A_254 : memref<3328xf32, #tpu.memory_space<vmem>>)
    %dma_wait3A_260 = tpu.memref_slice %arg7[%add3A_164] : memref<53248xf32, #tpu.memory_space<vmem>> -> memref<3328xf32, #tpu.memory_space<vmem>>
    %dma_wait3A_261 = tpu.memref_slice %arg6[%mul3A_11] : memref<3328xi32, #tpu.memory_space<vmem>> -> memref<3328xi32, #tpu.memory_space<vmem>>
    %dma_wait3A_262 = arith.constant 1500000 : i32
    %dma_wait3A_263 = tpu.memref_slice %arg3[%dma_wait3A_262] : memref<41600000xf32, #tpu.memory_space<hbm>> -> memref<40100000xf32, #tpu.memory_space<hbm>>
    %dma_wait3A_264 = arith.constant 0 : i32
    %dma_wait3A_265 = tpu.memref_slice %dma_wait3A_263[%dma_wait3A_264] : memref<40100000xf32, #tpu.memory_space<hbm>> -> memref<40100000xf32, #tpu.memory_space<hbm>>
    tpu.wait_indirect_dma semaphore(%arg8 : memref<!tpu.dma_semaphore, #tpu.memory_space<semaphore_mem>>) src(%dma_wait3A_265 : memref<40100000xf32, #tpu.memory_space<hbm>>) dst(%dma_wait3A_260 : memref<3328xf32, #tpu.memory_space<vmem>>)
    %scan3A_266 = arith.constant 1 : i32
    %mul3A_267 = arith.constant 53248 : i32
    %mul3A_268 = arith.muli %add3A, %mul3A_267 : i32
    "tpu.region"() ({
      %run_scoped3A = tpu.sem_alloc : memref<!tpu.dma_semaphore, #tpu.memory_space<semaphore_mem>>
      %dma_start3A_269 = tpu.memref_slice %arg4[%mul3A_268] : memref<1703936xf32, #tpu.memory_space<hbm>> -> memref<53248xf32, #tpu.memory_space<hbm>>
      %dma_start3A_270 = tpu.memref_slice %arg4[%mul3A_268] : memref<1703936xf32, #tpu.memory_space<hbm>> -> memref<53248xf32, #tpu.memory_space<hbm>>
      tpu.enqueue_dma source(%arg7 : memref<53248xf32, #tpu.memory_space<vmem>>) target(%dma_start3A_270 : memref<53248xf32, #tpu.memory_space<hbm>>) target_semaphore(%run_scoped3A : memref<!tpu.dma_semaphore, #tpu.memory_space<semaphore_mem>>)
      %dma_wait3A_271 = tpu.memref_slice %arg4[%mul3A_268] : memref<1703936xf32, #tpu.memory_space<hbm>> -> memref<53248xf32, #tpu.memory_space<hbm>>
      %dma_wait3A_272 = tpu.memref_slice %arg4[%mul3A_268] : memref<1703936xf32, #tpu.memory_space<hbm>> -> memref<53248xf32, #tpu.memory_space<hbm>>
      tpu.wait_dma2 semaphore(%run_scoped3A : memref<!tpu.dma_semaphore, #tpu.memory_space<semaphore_mem>>) src(%arg7 : memref<53248xf32, #tpu.memory_space<vmem>>) dst(%dma_wait3A_272 : memref<53248xf32, #tpu.memory_space<hbm>>)
      tpu.yield
    }) : () -> ()
    return
  }
}

module attributes {stable_mosaic.version = 14 : i64} {
  func.func @_mlp_body(%arg0: i32, %arg1: memref<512x13xf32, #tpu.memory_space<vmem>>, %arg2: memref<512x416xf32, #tpu.memory_space<vmem>>, %arg3: memref<13x1024xf32, #tpu.memory_space<vmem>>, %arg4: memref<416x1024xf32, #tpu.memory_space<vmem>>, %arg5: memref<1x1024xf32, #tpu.memory_space<vmem>>, %arg6: memref<1024x512xf32, #tpu.memory_space<vmem>>, %arg7: memref<1x512xf32, #tpu.memory_space<vmem>>, %arg8: memref<512x256xf32, #tpu.memory_space<vmem>>, %arg9: memref<1x256xf32, #tpu.memory_space<vmem>>, %arg10: memref<256x1xf32, #tpu.memory_space<vmem>>, %arg11: memref<1x1xf32, #tpu.memory_space<vmem>>, %arg12: memref<512x1xf32, #tpu.memory_space<vmem>>) attributes {dimension_semantics = [#tpu.dimension_semantics<arbitrary>], iteration_bounds = array<i64: 8>, scalar_prefetch = 0 : i64, scratch_operands = 0 : i64, tpu.core_type = #tpu.core_type<tc>, window_params = [{transform_indices = @transform_0, window_bounds = array<i64: 512, 13>}, {transform_indices = @transform_1, window_bounds = array<i64: 512, 416>}, {pipeline_mode = #tpu.pipeline_mode<synchronous>, transform_indices = @transform_2, window_bounds = array<i64: 13, 1024>}, {pipeline_mode = #tpu.pipeline_mode<synchronous>, transform_indices = @transform_3, window_bounds = array<i64: 416, 1024>}, {pipeline_mode = #tpu.pipeline_mode<synchronous>, transform_indices = @transform_4, window_bounds = array<i64: 1, 1024>}, {pipeline_mode = #tpu.pipeline_mode<synchronous>, transform_indices = @transform_5, window_bounds = array<i64: 1024, 512>}, {pipeline_mode = #tpu.pipeline_mode<synchronous>, transform_indices = @transform_6, window_bounds = array<i64: 1, 512>}, {pipeline_mode = #tpu.pipeline_mode<synchronous>, transform_indices = @transform_7, window_bounds = array<i64: 512, 256>}, {pipeline_mode = #tpu.pipeline_mode<synchronous>, transform_indices = @transform_8, window_bounds = array<i64: 1, 256>}, {pipeline_mode = #tpu.pipeline_mode<synchronous>, transform_indices = @transform_9, window_bounds = array<i64: 256, 1>}, {pipeline_mode = #tpu.pipeline_mode<synchronous>, transform_indices = @transform_10, window_bounds = array<i64: 1, 1>}, {transform_indices = @transform_11, window_bounds = array<i64: 512, 1>}]} {
    %get3A = arith.constant 0 : index
    %get3A_0 = arith.constant 0 : index
    %get3A_1 = vector.load %arg1[%get3A, %get3A_0] : memref<512x13xf32, #tpu.memory_space<vmem>>, vector<512x13xf32>
    %get3A_2 = arith.constant 0 : index
    %get3A_3 = arith.constant 0 : index
    %get3A_4 = vector.load %arg3[%get3A_2, %get3A_3] : memref<13x1024xf32, #tpu.memory_space<vmem>>, vector<13x1024xf32>
    %dot_general3A = arith.constant dense<0.000000e+00> : vector<512x1024xf32>
    %dot_general3A_5 = tpu.matmul %get3A_1, %get3A_4, %dot_general3A {dimension_numbers = #tpu.dot_dimension_numbers<[1], [0], [0], [1], [0, 0, 1, 1], [], []>, transpose_lhs_hint = false} : vector<512x13xf32>, vector<13x1024xf32>, vector<512x1024xf32> -> vector<512x1024xf32>
    %get3A_6 = arith.constant 0 : index
    %get3A_7 = arith.constant 0 : index
    %get3A_8 = vector.load %arg2[%get3A_6, %get3A_7] : memref<512x416xf32, #tpu.memory_space<vmem>>, vector<512x416xf32>
    %get3A_9 = arith.constant 0 : index
    %get3A_10 = arith.constant 0 : index
    %get3A_11 = vector.load %arg4[%get3A_9, %get3A_10] : memref<416x1024xf32, #tpu.memory_space<vmem>>, vector<416x1024xf32>
    %dot_general3A_12 = arith.constant dense<0.000000e+00> : vector<512x1024xf32>
    %dot_general3A_13 = tpu.matmul %get3A_8, %get3A_11, %dot_general3A_12 {dimension_numbers = #tpu.dot_dimension_numbers<[1], [0], [0], [1], [0, 0, 1, 1], [], []>, transpose_lhs_hint = false} : vector<512x416xf32>, vector<416x1024xf32>, vector<512x1024xf32> -> vector<512x1024xf32>
    %add3A = arith.addf %dot_general3A_5, %dot_general3A_13 : vector<512x1024xf32>
    %get3A_14 = arith.constant 0 : index
    %get3A_15 = arith.constant 0 : index
    %get3A_16 = vector.load %arg5[%get3A_14, %get3A_15] : memref<1x1024xf32, #tpu.memory_space<vmem>>, vector<1x1024xf32>
    %add3A_17 = vector.broadcast %get3A_16 : vector<1x1024xf32> to vector<512x1024xf32>
    %add3A_18 = arith.addf %add3A, %add3A_17 : vector<512x1024xf32>
    %max3A = arith.constant 0.000000e+00 : f32
    %max3A_19 = vector.broadcast %max3A : f32 to vector<512x1024xf32>
    %max3A_20 = arith.maximumf %add3A_18, %max3A_19 : vector<512x1024xf32>
    %get3A_21 = arith.constant 0 : index
    %get3A_22 = arith.constant 0 : index
    %get3A_23 = vector.load %arg6[%get3A_21, %get3A_22] : memref<1024x512xf32, #tpu.memory_space<vmem>>, vector<1024x512xf32>
    %dot_general3A_24 = arith.constant dense<0.000000e+00> : vector<512x512xf32>
    %dot_general3A_25 = tpu.matmul %max3A_20, %get3A_23, %dot_general3A_24 {dimension_numbers = #tpu.dot_dimension_numbers<[1], [0], [0], [1], [0, 0, 1, 1], [], []>, transpose_lhs_hint = false} : vector<512x1024xf32>, vector<1024x512xf32>, vector<512x512xf32> -> vector<512x512xf32>
    %get3A_26 = arith.constant 0 : index
    %get3A_27 = arith.constant 0 : index
    %get3A_28 = vector.load %arg7[%get3A_26, %get3A_27] : memref<1x512xf32, #tpu.memory_space<vmem>>, vector<1x512xf32>
    %add3A_29 = vector.broadcast %get3A_28 : vector<1x512xf32> to vector<512x512xf32>
    %add3A_30 = arith.addf %dot_general3A_25, %add3A_29 : vector<512x512xf32>
    %max3A_31 = arith.constant 0.000000e+00 : f32
    %max3A_32 = vector.broadcast %max3A_31 : f32 to vector<512x512xf32>
    %max3A_33 = arith.maximumf %add3A_30, %max3A_32 : vector<512x512xf32>
    %get3A_34 = arith.constant 0 : index
    %get3A_35 = arith.constant 0 : index
    %get3A_36 = vector.load %arg8[%get3A_34, %get3A_35] : memref<512x256xf32, #tpu.memory_space<vmem>>, vector<512x256xf32>
    %dot_general3A_37 = arith.constant dense<0.000000e+00> : vector<512x256xf32>
    %dot_general3A_38 = tpu.matmul %max3A_33, %get3A_36, %dot_general3A_37 {dimension_numbers = #tpu.dot_dimension_numbers<[1], [0], [0], [1], [0, 0, 1, 1], [], []>, transpose_lhs_hint = false} : vector<512x512xf32>, vector<512x256xf32>, vector<512x256xf32> -> vector<512x256xf32>
    %get3A_39 = arith.constant 0 : index
    %get3A_40 = arith.constant 0 : index
    %get3A_41 = vector.load %arg9[%get3A_39, %get3A_40] : memref<1x256xf32, #tpu.memory_space<vmem>>, vector<1x256xf32>
    %add3A_42 = vector.broadcast %get3A_41 : vector<1x256xf32> to vector<512x256xf32>
    %add3A_43 = arith.addf %dot_general3A_38, %add3A_42 : vector<512x256xf32>
    %max3A_44 = arith.constant 0.000000e+00 : f32
    %max3A_45 = vector.broadcast %max3A_44 : f32 to vector<512x256xf32>
    %max3A_46 = arith.maximumf %add3A_43, %max3A_45 : vector<512x256xf32>
    %get3A_47 = arith.constant 0 : index
    %get3A_48 = arith.constant 0 : index
    %get3A_49 = vector.load %arg10[%get3A_47, %get3A_48] : memref<256x1xf32, #tpu.memory_space<vmem>>, vector<256x1xf32>
    %dot_general3A_50 = arith.constant dense<0.000000e+00> : vector<512x1xf32>
    %dot_general3A_51 = tpu.matmul %max3A_46, %get3A_49, %dot_general3A_50 {dimension_numbers = #tpu.dot_dimension_numbers<[1], [0], [0], [1], [0, 0, 1, 1], [], []>, transpose_lhs_hint = false} : vector<512x256xf32>, vector<256x1xf32>, vector<512x1xf32> -> vector<512x1xf32>
    %get3A_52 = arith.constant 0 : index
    %get3A_53 = arith.constant 0 : index
    %get3A_54 = vector.load %arg11[%get3A_52, %get3A_53] : memref<1x1xf32, #tpu.memory_space<vmem>>, vector<1x1xf32>
    %add3A_55 = vector.broadcast %get3A_54 : vector<1x1xf32> to vector<512x1xf32>
    %add3A_56 = arith.addf %dot_general3A_51, %add3A_55 : vector<512x1xf32>
    %logistic3A = arith.negf %add3A_56 : vector<512x1xf32>
    %logistic3A_57 = math.exp %logistic3A : vector<512x1xf32>
    %logistic3A_58 = arith.constant 1.000000e+00 : f32
    %logistic3A_59 = vector.broadcast %logistic3A_58 : f32 to vector<512x1xf32>
    %logistic3A_60 = arith.addf %logistic3A_59, %logistic3A_57 : vector<512x1xf32>
    %logistic3A_61 = arith.divf %logistic3A_59, %logistic3A_60 : vector<512x1xf32>
    %swap3A = arith.constant 0 : index
    %swap3A_62 = arith.constant 0 : index
    %swap3A_63 = vector.load %arg12[%swap3A, %swap3A_62] : memref<512x1xf32, #tpu.memory_space<vmem>>, vector<512x1xf32>
    tpu.vector_store %arg12[%swap3A, %swap3A_62], %logistic3A_61 {strides = array<i32>} : memref<512x1xf32, #tpu.memory_space<vmem>>, vector<512x1xf32>,
    return
  }
  func.func @transform_0(%arg0: i32) -> (i32, i32) {
    %c0_i32 = arith.constant 0 : i32
    %c0_i32_0 = arith.constant 0 : i32
    return %arg0, %c0_i32 : i32, i32
  }
  func.func @transform_1(%arg0: i32) -> (i32, i32) {
    %c0_i32 = arith.constant 0 : i32
    %c0_i32_0 = arith.constant 0 : i32
    return %arg0, %c0_i32 : i32, i32
  }
  func.func @transform_2(%arg0: i32) -> (i32, i32) {
    %c0_i32 = arith.constant 0 : i32
    %c0_i32_0 = arith.constant 0 : i32
    %c0_i32_1 = arith.constant 0 : i32
    return %c0_i32, %c0_i32_0 : i32, i32
  }
  func.func @transform_3(%arg0: i32) -> (i32, i32) {
    %c0_i32 = arith.constant 0 : i32
    %c0_i32_0 = arith.constant 0 : i32
    %c0_i32_1 = arith.constant 0 : i32
    return %c0_i32, %c0_i32_0 : i32, i32
  }
  func.func @transform_4(%arg0: i32) -> (i32, i32) {
    %c0_i32 = arith.constant 0 : i32
    %c0_i32_0 = arith.constant 0 : i32
    %c0_i32_1 = arith.constant 0 : i32
    return %c0_i32, %c0_i32_0 : i32, i32
  }
  func.func @transform_5(%arg0: i32) -> (i32, i32) {
    %c0_i32 = arith.constant 0 : i32
    %c0_i32_0 = arith.constant 0 : i32
    %c0_i32_1 = arith.constant 0 : i32
    return %c0_i32, %c0_i32_0 : i32, i32
  }
  func.func @transform_6(%arg0: i32) -> (i32, i32) {
    %c0_i32 = arith.constant 0 : i32
    %c0_i32_0 = arith.constant 0 : i32
    %c0_i32_1 = arith.constant 0 : i32
    return %c0_i32, %c0_i32_0 : i32, i32
  }
  func.func @transform_7(%arg0: i32) -> (i32, i32) {
    %c0_i32 = arith.constant 0 : i32
    %c0_i32_0 = arith.constant 0 : i32
    %c0_i32_1 = arith.constant 0 : i32
    return %c0_i32, %c0_i32_0 : i32, i32
  }
  func.func @transform_8(%arg0: i32) -> (i32, i32) {
    %c0_i32 = arith.constant 0 : i32
    %c0_i32_0 = arith.constant 0 : i32
    %c0_i32_1 = arith.constant 0 : i32
    return %c0_i32, %c0_i32_0 : i32, i32
  }
  func.func @transform_9(%arg0: i32) -> (i32, i32) {
    %c0_i32 = arith.constant 0 : i32
    %c0_i32_0 = arith.constant 0 : i32
    %c0_i32_1 = arith.constant 0 : i32
    return %c0_i32, %c0_i32_0 : i32, i32
  }
  func.func @transform_10(%arg0: i32) -> (i32, i32) {
    %c0_i32 = arith.constant 0 : i32
    %c0_i32_0 = arith.constant 0 : i32
    %c0_i32_1 = arith.constant 0 : i32
    return %c0_i32, %c0_i32_0 : i32, i32
  }
  func.func @transform_11(%arg0: i32) -> (i32, i32) {
    %c0_i32 = arith.constant 0 : i32
    %c0_i32_0 = arith.constant 0 : i32
    return %arg0, %c0_i32 : i32, i32
  }
}

</mosaic_0001>

<sc_bundles>
// kernel: kernel.4.cloned.1.call-start
scs
__scs_entry_jumppad:
0x0: {  	(pc) =	sbr.rel $0x88, $3  }
0x1: {  	(tag) =	ssettag $0x0;
	lr =	simm.s32 $0x1  }
0x2: {  	[smem:$0x3F96] =	sst lr;
	_ =	strace $0xD0000000  }
0x3: {  	_ = 	snop  }
0x4: {  	_ = 	snop  }
0x5: {  	_ = 	snop  }
0x6: {  	_ = 	snop  }
0x7: {  	_ = 	snop  }
__scs_overlays_trampoline_lowered:
0x8: {  	[smem:$0x3FA5] =	sst s0  }
0x9: {  	[smem:$0x3FA6] =	sst s1  }
0xa: {  	[smem:$0x3FA7] =	sst s2  }
0xb: {  	[smem:$0x3FA8] =	sst s3  }
0xc: {  	[smem:$0x3FA9] =	sst s4  }
0xd: {  	[smem:$0x3FAA] =	sst s5  }
0xe: {  	[smem:$0x3FAB] =	sst s6  }
0xf: {  	[smem:$0x3FAC] =	sst s7  }
0x10: {  	[smem:$0x3FAD] =	sst s8  }
0x11: {  	[smem:$0x3FAE] =	sst s9;
	s0 =	simm.s32 @!p0 $0x0  }
0x12: {  	s1 =	sld [smem:$0x3F94];
	s0 =	simm.s32 @p0 $0x1  }
0x13: {  	[smem:$0x3FAF] =	sst s0;
	s0 =	simm.s32 @!p1 $0x0  }
0x14: {  	s2 =	sld [smem:$0x3F93];
	s0 =	simm.s32 @p1 $0x1  }
0x15: {  	[smem:$0x3FB0] =	sst s0;
	s0 =	simm.s32 @!p2 $0x0  }
0x16: {  	s3 =	sld [smem:$0x3FDB];
	s0 =	simm.s32 @p2 $0x1  }
0x17: {  	s4 =	simm.s32 $0x1BF5;
	[smem:$0x3FB2] =	sst s0  }
0x18: {  	s0 =	sld [smem:$0x3F95];
	_ =	swait.ge [sflag:s4], $0x0  }
0x19: {  	s7 =	sld [smem:$0x3F96]  }
0x1a: {  	s8 =	sadd.s32 $0xFFFFE003, lr  }
0x1b: {  	s9 =	sadd.s32 $0xFFFFFEF7, lr;
	s5 =	simm.s32 $0xFFFFFFFF;
	p2 =	slt.u32 s8, $0xFFFFF086  }
0x1c: {  	p1 =	slt.u32 s9, $0xF7A;
	s5 =	simm.s32 @!p2 $0x0  }
0x1d: {  	s5 =	simm.s32 @p1 $0x1;
	p0 =	seq.s32 s7, s2  }
0x1e: {  	s7 =	smul.u32 @!p0 $0xF7A, s2;
	p2 =	seq.s32 @!p0 s5, $0x0  }
0x1f: {  	s9 =	smul.u32 $0xF7A, s1;
	s8 =	simm.s32 @!p0 $0x1BF5;
	p2 =	por !p2, p0  }
0x20: {  	[sflag:s8] =	ssyncset.s32 @!p0 $0xFFFFF086;
	s6 =	sadd.s32 @!p0 s3, s7;
	s7 =	simm.s32 @!p0 $0x108  }
0x21: {  	s3 =	sadd.s32 s3, s9;
	s6 =	sadd.s32 @!p0 $0x88, s6;
	s7 =	simm.s32 @p2 $0x1082  }
0x22: {  	[simem:s7], [sflag:s8] =	dma.local @!p0 [hbm:s6], $0xF7A  }
0x23: {  	s9 =	sor.u32 $0xD0000000, s2;
	s6 =	simm.s32 $0x108;
	_ =	swait.ge @!p0 [sflag:s8], $0x0  }
0x24: {  	s3 =	sadd.s32 $0x88, s3;
	s6 =	simm.s32 @!p1 $0x1082;
	[sflag:s4] =	ssyncset.s32 $0xFFFFF086  }
0x25: {  	[simem:s6], [sflag:s4] =	dma.local [hbm:s3], $0xF7A  }
0x26: {  	[smem:$0x3F96] =	sst s1;
	(tag) =	ssettag s2;
	_ =	strace s9  }
0x27: {  	s1 =	sld [smem:$0x3FA6]  }
0x28: {  	s2 =	sld [smem:$0x3FA7]  }
0x29: {  	s4 =	sld [smem:$0x3FA9]  }
0x2a: {  	p0 =	seq.s32 s5, $0x0;
	s5 =	sld [smem:$0x3FAA]  }
0x2b: {  	s6 =	sld [smem:$0x3FAB]  }
0x2c: {  	s7 =	sld [smem:$0x3FAC]  }
0x2d: {  	s3 =	simm.s32 $0x108;
	s8 =	sld [smem:$0x3FAD]  }
0x2e: {  	s3 =	simm.s32 @!p0 $0x1082;
	s9 =	sld [smem:$0x3FAE]  }
0x2f: {  	lr =	sadd.s32 s0, s3;
	s0 =	sld [smem:$0x3FA5]  }
0x30: {  	s3 =	sld [smem:$0x3FA8]  }
0x31: {  	[smem:$0x3FB1] =	sst s10  }
0x32: {  	s10 =	sld [smem:$0x3FAF];
	_ =	sdelay $0x3  }
0x33: {  	p0 =	seq.s32 s10, $0x1;
	s10 =	sld [smem:$0x3FB1];
	_ =	sdelay $0x3  }
0x34: {  	[smem:$0x3FB1] =	sst s10  }
0x35: {  	s10 =	sld [smem:$0x3FB0];
	_ =	sdelay $0x3  }
0x36: {  	p1 =	seq.s32 s10, $0x1;
	s10 =	sld [smem:$0x3FB1];
	_ =	sdelay $0x3  }
0x37: {  	[smem:$0x3FB1] =	sst s10  }
0x38: {  	s10 =	sld [smem:$0x3FB2]  }
0x39: {  	_ = 	snop;
	(pc) =	sbr.ind lr, $3  }
0x3a: {  	_ = 	snop  }
0x3b: {  	_ = 	snop  }
0x3c: {  	p2 =	seq.s32 s10, $0x1;
	s10 =	sld [smem:$0x3FB1]  }
0x3d: {  	_ =	shalt  }
0x3e: {  	_ =	shalt  }
0x3f: {  	_ =	shalt  }
0x40: {  	_ =	shalt  }
0x41: {  	_ =	shalt  }
0x42: {  	_ =	shalt  }
0x43: {  	_ =	shalt  }
0x44: {  	_ =	shalt  }
0x45: {  	_ =	shalt  }
0x46: {  	_ =	shalt  }
0x47: {  	_ =	shalt  }
0x48: {  	_ =	shalt  }
0x49: {  	_ =	shalt  }
0x4a: {  	_ =	shalt  }
0x4b: {  	_ =	shalt  }
0x4c: {  	_ =	shalt  }
0x4d: {  	_ =	shalt  }
0x4e: {  	_ =	shalt  }
0x4f: {  	_ =	shalt  }
0x50: {  	_ =	shalt  }
0x51: {  	_ =	shalt  }
0x52: {  	_ =	shalt  }
0x53: {  	_ =	shalt  }
0x54: {  	_ =	shalt  }
0x55: {  	_ =	shalt  }
0x56: {  	_ =	shalt  }
0x57: {  	_ =	shalt  }
0x58: {  	_ =	shalt  }
0x59: {  	_ =	shalt  }
0x5a: {  	_ =	shalt  }
0x5b: {  	_ =	shalt  }
0x5c: {  	_ =	shalt  }
0x5d: {  	_ =	shalt  }
0x5e: {  	_ =	shalt  }
0x5f: {  	_ =	shalt  }
0x60: {  	_ =	shalt  }
0x61: {  	_ =	shalt  }
0x62: {  	_ =	shalt  }
0x63: {  	_ =	shalt  }
0x64: {  	_ =	shalt  }
0x65: {  	_ =	shalt  }
0x66: {  	_ =	shalt  }
0x67: {  	_ =	shalt  }
0x68: {  	_ =	shalt  }
0x69: {  	_ =	shalt  }
0x6a: {  	_ =	shalt  }
0x6b: {  	_ =	shalt  }
0x6c: {  	_ =	shalt  }
0x6d: {  	_ =	shalt  }
0x6e: {  	_ =	shalt  }
0x6f: {  	_ =	shalt  }
0x70: {  	_ =	shalt  }
0x71: {  	_ =	shalt  }
0x72: {  	_ =	shalt  }
0x73: {  	_ =	shalt  }
0x74: {  	_ =	shalt  }
0x75: {  	_ =	shalt  }
0x76: {  	_ =	shalt  }
0x77: {  	_ =	shalt  }
0x78: {  	_ =	shalt  }
0x79: {  	_ =	shalt  }
0x7a: {  	_ =	shalt  }
0x7b: {  	_ =	shalt  }
0x7c: {  	_ =	shalt  }
0x7d: {  	_ =	shalt  }
0x7e: {  	_ =	shalt  }
0x7f: {  	_ =	shalt  }
0x80: {  	_ =	shalt  }
0x81: {  	_ =	shalt  }
0x82: {  	_ =	shalt  }
0x83: {  	_ =	shalt  }
0x84: {  	_ =	shalt  }
0x85: {  	_ =	shalt  }
0x86: {  	_ =	shalt  }
0x87: {  	_ =	shalt  }
.Lfunc_end0:
.L_simem_size_0:
called_computation_lowered:
.L_overlay_start_0:
0x88: {  	s2 =	sld [smem:$0x3FD9]  }
0x89: {  	s3 =	sld [smem:$0x3FFE];
	_ =	sdelay $0x1  }
0x8a: {  	s1 =	srdreg.scid  }
0x8b: {  	s0 =	sand.u32 $0x1, s1  }
0x8c: {  	s16 =	sshll.u32 s0, $0xA;
	s2 =	sadd.s32 s3, s2  }
0x8d: {  	s2 =	sadd.s32 s2, s16  }
0x8e: {  	[smem:$0x3FBD] =	sst s2  }
0x8f: {  	_ = 	snop  }
0x90: {  	(tm) =	ssettm $0x1  }
0x91: {  	s17 =	sld [smem:$0x3FFB];
	_ =	sdelay $0x3  }
0x92: {  	_ =	strace s17  }
0x93: {  	s2 =	sld [smem:$0x3FFC];
	_ =	sdelay $0x3  }
0x94: {  	_ =	strace s2  }
0x95: {  	s2 =	sld [smem:$0x3FFD];
	_ =	sdelay $0x3  }
0x96: {  	_ =	strace s2  }
0x97: {  	_ =	strace $0x8FFFFFFF  }
0x98: {  	s18 =	sld [smem:$0x3FDB];
	_ =	sdelay $0x1  }
0x99: {  	s19 =	simm.s32 $_scs_section_size  }
0x9a: {  	s4 =	simm.s32 $_size__tile_overlayer_lowered;
	s5 =	simm.s32 $_tile_overlayer_lowered  }
0x9b: {  	s22 =	simm.s32 $0x1BFF;
	s21 =	sshll.u32 s5, $0x1;
	s2 =	sadd.s32 s19, s18  }
0x9c: {  	s6 =	simm.s32 $0x0;
	s20 =	sshll.u32 s4, $0x1;
	s4 =	sadd.s32 s21, s2  }
0x9d: {  	[timem:s6], [sflag:s22] =	dma.local [hbm:s4], s20  }
0x9e: {  	_ =	swait.ge [sflag:s22], s20  }
0x9f: {  	s3 =	ssub.s32 $0x0, s20;
	[sflag:s22] =	ssyncset.done $0x0  }
0xa0: {  	[sflag:s22] =	ssyncadd.s32 s3;
	_ =	sdelay $0x1  }
0xa1: {  	s23 =	simm.s32 $0x1B8B  }
0xa2: {  	_ =	swait.ge [sflag:s23], $0x1  }
0xa3: {  	[sflag:s23] =	ssyncset.done $0x0  }
0xa4: {  	s25 =	simm.s32 $0x1B8E;
	s24 =	sld [smem:$0x3FFE];
	[sflag:s23] =	ssyncadd.s32 $0xFFFFFFFF  }
0xa5: {  	s26 =	simm.s32 $execute0_lowered;
	[smem:$0x3FD2] =	sst s25  }
0xa6: {  	s4 =	sshll.u32 s26, $0x1;
	_ =	strace $0x80000046;
	[dreg:$0x1] =	wrdreg $0xFFFFFFFF  }
0xa7: {  	s28 =	simm.s32 $_size_execute0_lowered;
	s2 =	sadd.s32 s2, s4;
	[dreg:$0x0] =	wrdreg $0x0  }
0xa8: {  	s4 =	sshll.u32 s28, $0x1;
	[dreg:$0x2] =	wrdreg s2  }
0xa9: {  	[dreg:$0x3] =	wrdreg s4  }
0xaa: {  	[dreg:$0x4] =	wrdreg $0xC0  }
0xab: {  	_ =	task [dreg:s6], $0x5FFFF  }
0xac: {  	[dreg:$0x1] =	wrdreg $0xFFFFFFFF  }
0xad: {  	[dreg:$0x0] =	wrdreg $0x60  }
0xae: {  	[dreg:$0x2] =	wrdreg s24  }
0xaf: {  	[dreg:$0x3] =	wrdreg $0x9  }
0xb0: {  	_ =	task.clear_ibuf [dreg:s6], $0x4FFFF;
	_ =	strace $0x90000046  }
0xb1: {  	s29 =	simm.s32 $0x9;
	_ =	strace $0x80000048  }
0xb2: {  	_ =	swait.ge [sflag:s29], $0x1  }
0xb3: {  	[sflag:s29] =	ssyncadd.s32 $0xFFFFFFFF  }
0xb4: {  	_ =	strace $0x90000048  }
0xb5: {  	_ =	sfence  }
0xb6: {  	s30 =	sld [smem:$0x0];
	_ =	sdelay $0x2  }
0xb7: {  	s31 =	sshll.u32 s1, $0xD;
	s1 =	sshrl.u32 s1, $0x2  }
0xb8: {  	s3 =	sand.u32 $0x4000, s31;
	s1 =	sadd.s32 s1, s30  }
0xb9: {  	s0 =	sor.u32 s3, s0;
	s1 =	sshll.u32 s1, $0x11  }
0xba: {  	s0 =	sor.u32 s1, s0  }
0xbb: {  	s0 =	sadd.s32 $0x8F2B, s0  }
0xbc: {  	[sflag:s0] =	ssyncadd.remote.s32 $0x1  }
0xbd: {  	_ =	sfence.sel $0xFFFF  }
0xbe: {  	[dreg:$0x0] =	wrdreg $0xFFFFFFFF;
	(pc) =	sbr.abs _section_cstart, $3  }
0xbf: {  	[dreg:$0x1] =	wrdreg $0xFFFFFFFF  }
0xc0: {  	_ =	task.clear_ibuf [dreg:s6], $0x2FFFF;
	_ =	strace $0x9FFFFFFF  }
0xc1: {  	(tm) =	ssettm $0x7FFFFFFF  }
tec
execute0_lowered:
.L_overlay_start_1:
0x0: {  	(tag) =	ssettag $0x1  }
0x1: {  	s0 =	srdreg.scid  }
0x2: {  	s1 =	stileid.u32;
	s19 =	rddreg [dreg:$0x0]  }
0x3: {  	s2 =	simm.s32 $0x0;
	s22 =	simm.s32 $0x2;
	s23 =	simm.s32 $0xD00  }
0x4: {  	s24 =	simm.s32 $0x1A00;
	s31 =	simm.s32 $0xD000;
	s25 =	simm.s32 $0x0  }
0x5: {  	s0 =	sand.u32 $0x1, s0;
	s1 =	sshll.u32 s1, $0x1;
	[smem:$0x7FF] =	sst s2  }
0x6: {  	s6 =	sadd.s32 $0x77A8, s19;
	s7 =	sadd.s32 $0xA87C, s19;
	s8 =	sadd.s32 $0xD950, s19  }
0x7: {  	s9 =	sadd.s32 $0x10A24, s19;
	s10 =	sadd.s32 $0x13AF8, s19;
	s11 =	sadd.s32 $0x16BCC, s19  }
0x8: {  	s12 =	sadd.s32 $0x19CA0, s19;
	s13 =	sadd.s32 $0x1CD74, s19;
	s14 =	sadd.s32 $0x1FE48, s19  }
0x9: {  	s15 =	sadd.s32 $0x22F1C, s19;
	s16 =	sadd.s32 $0x25FF0, s19;
	s1 =	sor.u32 s0, s1  }
0xa: {  	s17 =	sadd.s32 $0x290C4, s19;
	s0 =	ssub.s32 $0x2, s0;
	s3 =	smul.u32 $0x1A0, s1  }
0xb: {  	s18 =	sadd.s32 $0x2C198, s19;
	s1 =	smul.u32 $0x1A00, s1;
	s5 =	sshrl.u32 s0, $0x1  }
0xc: {  	_ =	strace $0x80000047;
	s0 =	ssub.s32 s0, s5;
	s5 =	sadd.s32 $0x46D4, s19  }
0xd: {  	s4 =	sadd.s32 s3, s19;
	s3 =	sadd.s32 $0x1600, s19;
	s1 =	sadd.s32 s1, s19  }
0xe: {  	s19 =	sadd.s32 $0x2F26C, s19;
	s21 =	smax.u32 s0, $0x1;
	s0 =	simm.s32 $0x1  }
0xf: {  	v0 =	vlaneseq.u32;
	s4 =	sadd.s32 $0x4F7000, s4;
	s20 =	sadd.s32 $0x4FA400, s1;
	s1 =	simm.s32 $0xDD00  }
.LBB2_1:
0x10: {  	[tilespmem:s2], [sflag:$0x2] =	stream.linear.gather [hbm4b:s4+s2], $0xD00, $0x38;
	[tilespmem:$0xEA00] =	vst v63  }
0x11: {  	_ =	swait.ge [sflag:s22], $0xD00  }
0x12: {  	[sflag:s22] =	ssyncset.done $0x0  }
0x13: {  	[sflag:s22] =	ssyncadd.s32 $0xFFFFF300  }
0x14: {  	v1 =	vld [tilespmem:s2+$0x0];
	_ =	sdelay $0x4  }
0x15: {  	v2 =	vor.u32 s2, v0;
	v1 =	vmul.u32 $0x9E3779B1, v1  }
0x16: {  	v3 =	vmulhi.u32 $0x4EC4EC4F, v2  }
0x17: {  	v4 =	vshrl.u32 v1, $0x5  }
0x18: {  	v3 =	vshrl.u32 v3, $0x3;
	v4 =	vmulhi.u32 $0xA7C5AC5, v4  }
0x19: {  	v3 =	vmul.u32 $0x1A, v3  }
0x1a: {  	v4 =	vshrl.u32 v4, $0x7  }
0x1b: {  	v2 =	vsub.s32 v2, v3;
	v4 =	vmul.u32 $0x186A0, v4  }
0x1c: {  	v2 =	vmul.u32 $0x186A00, v2  }
0x1d: {  	v1 =	vsub.s32 v1, v4  }
0x1e: {  	v1 =	vadd.s32 v2, v1  }
0x1f: {  	s28 =	simm.s32 $0x10;
	[tilespmem:s23+$0x0] =	vst v1  }
0x20: {  	s29 =	simm.s32 $0x20;
	s26 =	simm.s32 $0xD00;
	s30 =	simm.s32 $0x10;
	v1 =	vld [tilespmem:s28+$0x0]  }
.LBB2_2:
0x21: {  	p0 =	sne.s32 s29, $0xCF0;
	_ =	sdelay $0x3  }
0x22: {  	v2 =	vor.u32 s28, v0;
	s28 =	smov.u32 s29;
	v1 =	vmul.u32 $0x9E3779B1, v1  }
0x23: {  	v3 =	vmulhi.u32 $0x4EC4EC4F, v2  }
0x24: {  	v4 =	vshrl.u32 v1, $0x5  }
0x25: {  	v3 =	vshrl.u32 v3, $0x3;
	v4 =	vmulhi.u32 $0xA7C5AC5, v4  }
0x26: {  	v3 =	vmul.u32 $0x1A, v3  }
0x27: {  	v4 =	vshrl.u32 v4, $0x7  }
0x28: {  	v2 =	vsub.s32 v2, v3;
	v4 =	vmul.u32 $0x186A0, v4  }
.Ltmp0:
0x29: {  	v2 =	vmul.u32 $0x186A00, v2;
	(pc) =	sbr.rel @p0 .LBB2_2-.Ltmp0, $4  }
0x2a: {  	v1 =	vsub.s32 v1, v4  }
0x2b: {  	s26 =	sadd.s32 $0x10, s26;
	v1 =	vadd.s32 v2, v1  }
0x2c: {  	s30 =	sadd.s32 $0x10, s30;
	[tilespmem:s26+$0x0] =	vst v1  }
0x2d: {  	s29 =	sadd.s32 $0x10, s29;
	v1 =	vld [tilespmem:s30+$0x0]  }
0x2e: {  	_ =	sdelay $0x3  }
0x2f: {  	v2 =	vor.u32 s28, v0;
	v1 =	vmul.u32 $0x9E3779B1, v1  }
0x30: {  	v3 =	vmulhi.u32 $0x4EC4EC4F, v2  }
0x31: {  	v4 =	vshrl.u32 v1, $0x5  }
0x32: {  	v3 =	vshrl.u32 v3, $0x3;
	v4 =	vmulhi.u32 $0xA7C5AC5, v4  }
0x33: {  	v3 =	vmul.u32 $0x1A, v3  }
0x34: {  	v4 =	vshrl.u32 v4, $0x7  }
0x35: {  	v2 =	vsub.s32 v2, v3;
	v4 =	vmul.u32 $0x186A0, v4  }
0x36: {  	v2 =	vmul.u32 $0x186A00, v2  }
0x37: {  	v1 =	vsub.s32 v1, v4  }
0x38: {  	s26 =	sadd.s32 $0x10, s26;
	v1 =	vadd.s32 v2, v1  }
0x39: {  	[tilespmem:s26+$0x0] =	vst v1  }
0x3a: {  	[tilespmem:s24], [sflag:$0x1] =	stream.indirect.gather [hbm4b:s3+s23], $0x1, s23, s23, $0xb8;
	[tilespmem:$0xEA00] =	vst v63  }
0x3b: {  	s30 =	simm.s32 $0x2700  }
0x3c: {  	[tilespmem:s30], [sflag:$0x1] =	stream.indirect.gather [hbm4b:s5+s23], $0x1, s23, s23, $0xb8;
	[tilespmem:$0xEA00] =	vst v63  }
0x3d: {  	s28 =	simm.s32 $0x3400  }
0x3e: {  	[tilespmem:s28], [sflag:$0x1] =	stream.indirect.gather [hbm4b:s6+s23], $0x1, s23, s23, $0xb8;
	[tilespmem:$0xEA00] =	vst v63  }
0x3f: {  	s29 =	simm.s32 $0x4100  }
0x40: {  	[tilespmem:s29], [sflag:$0x1] =	stream.indirect.gather [hbm4b:s7+s23], $0x1, s23, s23, $0xb8;
	[tilespmem:$0xEA00] =	vst v63  }
0x41: {  	s30 =	simm.s32 $0x4E00  }
0x42: {  	[tilespmem:s30], [sflag:$0x1] =	stream.indirect.gather [hbm4b:s8+s23], $0x1, s23, s23, $0xb8;
	[tilespmem:$0xEA00] =	vst v63  }
0x43: {  	s28 =	simm.s32 $0x5B00  }
0x44: {  	[tilespmem:s28], [sflag:$0x1] =	stream.indirect.gather [hbm4b:s9+s23], $0x1, s23, s23, $0xb8;
	[tilespmem:$0xEA00] =	vst v63  }
0x45: {  	s29 =	simm.s32 $0x6800  }
0x46: {  	[tilespmem:s29], [sflag:$0x1] =	stream.indirect.gather [hbm4b:s10+s23], $0x1, s23, s23, $0xb8;
	[tilespmem:$0xEA00] =	vst v63  }
0x47: {  	s30 =	simm.s32 $0x7500  }
0x48: {  	[tilespmem:s30], [sflag:$0x1] =	stream.indirect.gather [hbm4b:s11+s23], $0x1, s23, s23, $0xb8;
	[tilespmem:$0xEA00] =	vst v63  }
0x49: {  	s28 =	simm.s32 $0x8200  }
0x4a: {  	[tilespmem:s28], [sflag:$0x1] =	stream.indirect.gather [hbm4b:s12+s23], $0x1, s23, s23, $0xb8;
	[tilespmem:$0xEA00] =	vst v63  }
0x4b: {  	s29 =	simm.s32 $0x8F00  }
0x4c: {  	[tilespmem:s29], [sflag:$0x1] =	stream.indirect.gather [hbm4b:s13+s23], $0x1, s23, s23, $0xb8;
	[tilespmem:$0xEA00] =	vst v63  }
0x4d: {  	s30 =	simm.s32 $0x9C00  }
0x4e: {  	[tilespmem:s30], [sflag:$0x1] =	stream.indirect.gather [hbm4b:s14+s23], $0x1, s23, s23, $0xb8;
	[tilespmem:$0xEA00] =	vst v63  }
0x4f: {  	s28 =	simm.s32 $0xA900  }
0x50: {  	[tilespmem:s28], [sflag:$0x1] =	stream.indirect.gather [hbm4b:s15+s23], $0x1, s23, s23, $0xb8;
	[tilespmem:$0xEA00] =	vst v63  }
0x51: {  	s29 =	simm.s32 $0xB600  }
0x52: {  	[tilespmem:s29], [sflag:$0x1] =	stream.indirect.gather [hbm4b:s16+s23], $0x1, s23, s23, $0xb8;
	[tilespmem:$0xEA00] =	vst v63  }
0x53: {  	s30 =	simm.s32 $0xC300  }
0x54: {  	[tilespmem:s30], [sflag:$0x1] =	stream.indirect.gather [hbm4b:s17+s23], $0x1, s23, s23, $0xb8;
	[tilespmem:$0xEA00] =	vst v63  }
0x55: {  	_ = 	snop  }
0x56: {  	[tilespmem:s31], [sflag:$0x1] =	stream.indirect.gather [hbm4b:s18+s23], $0x1, s23, s23, $0xb8;
	[tilespmem:$0xEA00] =	vst v63  }
0x57: {  	_ = 	snop  }
0x58: {  	[tilespmem:s1], [sflag:$0x1] =	stream.indirect.gather [hbm4b:s19+s23], $0x1, s23, s23, $0xb8;
	[tilespmem:$0xEA00] =	vst v63  }
0x59: {  	_ =	swait.ge [sflag:s0], $0xD00  }
0x5a: {  	[sflag:s0] =	ssyncset.done $0x0  }
0x5b: {  	[sflag:s0] =	ssyncadd.s32 $0xFFFFF300  }
0x5c: {  	_ =	swait.ge [sflag:s0], $0xD00  }
0x5d: {  	[sflag:s0] =	ssyncset.done $0x0  }
0x5e: {  	[sflag:s0] =	ssyncadd.s32 $0xFFFFF300  }
0x5f: {  	_ =	swait.ge [sflag:s0], $0xD00  }
0x60: {  	[sflag:s0] =	ssyncset.done $0x0  }
0x61: {  	[sflag:s0] =	ssyncadd.s32 $0xFFFFF300  }
0x62: {  	_ =	swait.ge [sflag:s0], $0xD00  }
0x63: {  	[sflag:s0] =	ssyncset.done $0x0  }
0x64: {  	[sflag:s0] =	ssyncadd.s32 $0xFFFFF300  }
0x65: {  	_ =	swait.ge [sflag:s0], $0xD00  }
0x66: {  	[sflag:s0] =	ssyncset.done $0x0  }
0x67: {  	[sflag:s0] =	ssyncadd.s32 $0xFFFFF300  }
0x68: {  	_ =	swait.ge [sflag:s0], $0xD00  }
0x69: {  	[sflag:s0] =	ssyncset.done $0x0  }
0x6a: {  	[sflag:s0] =	ssyncadd.s32 $0xFFFFF300  }
0x6b: {  	_ =	swait.ge [sflag:s0], $0xD00  }
0x6c: {  	[sflag:s0] =	ssyncset.done $0x0  }
0x6d: {  	[sflag:s0] =	ssyncadd.s32 $0xFFFFF300  }
0x6e: {  	_ =	swait.ge [sflag:s0], $0xD00  }
0x6f: {  	[sflag:s0] =	ssyncset.done $0x0  }
0x70: {  	[sflag:s0] =	ssyncadd.s32 $0xFFFFF300  }
0x71: {  	_ =	swait.ge [sflag:s0], $0xD00  }
0x72: {  	[sflag:s0] =	ssyncset.done $0x0  }
0x73: {  	[sflag:s0] =	ssyncadd.s32 $0xFFFFF300  }
0x74: {  	_ =	swait.ge [sflag:s0], $0xD00  }
0x75: {  	[sflag:s0] =	ssyncset.done $0x0  }
0x76: {  	[sflag:s0] =	ssyncadd.s32 $0xFFFFF300  }
0x77: {  	_ =	swait.ge [sflag:s0], $0xD00  }
0x78: {  	[sflag:s0] =	ssyncset.done $0x0  }
0x79: {  	[sflag:s0] =	ssyncadd.s32 $0xFFFFF300  }
0x7a: {  	_ =	swait.ge [sflag:s0], $0xD00  }
0x7b: {  	[sflag:s0] =	ssyncset.done $0x0  }
0x7c: {  	[sflag:s0] =	ssyncadd.s32 $0xFFFFF300  }
0x7d: {  	_ =	swait.ge [sflag:s0], $0xD00  }
0x7e: {  	[sflag:s0] =	ssyncset.done $0x0  }
0x7f: {  	[sflag:s0] =	ssyncadd.s32 $0xFFFFF300  }
0x80: {  	_ =	swait.ge [sflag:s0], $0xD00  }
0x81: {  	[sflag:s0] =	ssyncset.done $0x0  }
0x82: {  	[sflag:s0] =	ssyncadd.s32 $0xFFFFF300  }
0x83: {  	_ =	swait.ge [sflag:s0], $0xD00  }
0x84: {  	[sflag:s0] =	ssyncset.done $0x0  }
0x85: {  	[sflag:s0] =	ssyncadd.s32 $0xFFFFF300  }
0x86: {  	s25 =	sadd.s32 $0x1, s25;
	_ =	swait.ge [sflag:s0], $0xD00  }
0x87: {  	p0 =	sne.s32 s25, s21;
	[sflag:s0] =	ssyncset.done $0x0  }
.Ltmp1:
0x88: {  	[sflag:s0] =	ssyncadd.s32 $0xFFFFF300;
	(pc) =	sbr.rel @p0 .LBB2_1-.Ltmp1, $4  }
0x89: {  	[hbm4b:s20+s2] =	stream.linear.scatter [tilespmem:s24], [sflag:$0x2], $0xD000, $0x38;
	[tilespmem:$0xEA00] =	vst v63  }
0x8a: {  	_ =	swait.ge [sflag:s22], $0xD000  }
0x8b: {  	[sflag:s22] =	ssyncset.done $0x0  }
0x8c: {  	[sflag:s22] =	ssyncadd.s32 $0xFFFF3000  }
0x8d: {  	_ =	sfence.sel $0x180000  }
0x8e: {  	[bflag:$0x0] =	sbarrier.arrive $0xFFFF  }
0x8f: {  	_ =	strace $0x90000047  }
0x90: {  	s0 =	stileid.u32;
	[bflag:$0x2] =	sbarrier.arrive $0xFFFF  }
0x91: {  	p0 =	sne.s32 s0, $0x0;
	s0 =	rddreg [dreg:$0x1]  }
0x92: {  	s0 =	sadd.s32 @!p0 $0x100000, s0  }
0x93: {  	[sflag:s0] =	ssyncadd.tile.s32 @!p0 $0x1;
	_ =	shalt  }
.Lfunc_end2:
_tile_overlayer_lowered:
.L_overlay_start_2:
0x94: {  	(tag) =	ssettag $0x2  }
0x95: {  	s0 =	rddreg [dreg:$0x0];
	s2 =	stileid.u32  }
0x96: {  	s1 =	rddreg [dreg:$0x1];
	p0 =	sne.s32 s2, $0x0  }
0x97: {  	s3 =	rddreg [dreg:$0x2];
	[bflag:$0x3] =	sbarrier.arrive $0xFFFF;
	s2 =	simm.s32 @!p0 $0x1C02  }
0x98: {  	[timem:s3], [sflag:s2] =	dma.local @!p0 [hbm:s0], s1  }
0x99: {  	s0 =	simm.s32 @!p0 $0x2  }
0x9a: {  	_ =	swait.ge @!p0 [sflag:s0], s1  }
0x9b: {  	s1 =	ssub.s32 @!p0 $0x0, s1;
	[sflag:s0] =	ssyncset.done @!p0 $0x0  }
0x9c: {  	[sflag:s0] =	ssyncadd.s32 @!p0 s1  }
0x9d: {  	[bflag:$0x3] =	sbarrier.arrive $0xFFFF  }
0x9e: {  	_ =	shalt  }

</sc_bundles>
